<compile_context>
chip_gen: v7x
topology: tpu7x:2x2x1
jax: 0.10.2.dev20260603
libtpu: 0.0.44.dev20260713+nightly
codegen_flags: <defaults>
</compile_context>

<pallas_src>
import functools

import jax
import jax.numpy as jnp
from jax import lax
from jax.experimental import pallas as pl
from jax.experimental.pallas import tpu as pltpu
from jax.experimental.pallas import tpu_sc as plsc

_N = 8192
_NPL = 1024
_NUM_LEVELS = 8
_E = _N - _NPL
_B = 16
_L = _N + _E
_D = 128
_RPL = _NPL * _B
_NROWS = _L * _B
_BLK = 16384
_LBLKS = _RPL // _BLK
_EBOFF = _N * _B // _BLK


def _lv0_kernel(a_ref, w_ref, big_ref):
    big_ref[...] = jnp.dot(a_ref[...], w_ref[...],
                           preferred_element_type=jnp.float32)


def _level_kernel(g_ref, dst_ref, edge_ref, ws_ref, wdc_ref, wec_ref,
                  big_in_ref, big_ref):
    del big_in_ref
    big_ref[...] = (
        jnp.dot(g_ref[...], ws_ref[...], preferred_element_type=jnp.float32)
        + jnp.dot(dst_ref[...], wdc_ref[...],
                  preferred_element_type=jnp.float32)
        + jnp.dot(edge_ref[...], wec_ref[...],
                  preferred_element_type=jnp.float32))


@functools.lru_cache(maxsize=None)
def _make_sc_gather():
    info = plsc.get_sparse_core_info()
    nc, ns = info.num_cores, info.num_subcores
    bpw = _RPL // (nc * ns)
    mesh = plsc.VectorSubcoreMesh(core_axis_name="c", subcore_axis_name="s")

    @functools.partial(
        pl.kernel, mesh=mesh,
        out_type=jax.ShapeDtypeStruct((_RPL, _D), jnp.float32),
        scratch_types=[
            pltpu.VMEM((bpw,), jnp.int32),
            pltpu.VMEM((bpw, _D), jnp.float32),
            pltpu.SemaphoreType.DMA,
        ],
    )
    def sc_gather(table_hbm, idx_hbm, out_hbm, idx_v, rows_v, sem):
        wid = lax.axis_index("s") * nc + lax.axis_index("c")
        base = wid * bpw
        pltpu.sync_copy(idx_hbm.at[pl.ds(base, bpw)], idx_v)
        pltpu.async_copy(table_hbm.at[idx_v], rows_v, sem).wait()
        pltpu.sync_copy(rows_v, out_hbm.at[pl.ds(base, bpw)])

    return sc_gather


def _gather(table, idx):
    return _make_sc_gather()(table, idx)


def _off(o):
    return lambda i: (o + i, 0)


_W128 = pl.BlockSpec((_D, _D), lambda i: (0, 0))


def kernel(connectivitys, all_seg_ids, all_feats, W_lin, W_msg):
    del all_seg_ids
    a = all_feats.reshape(_NROWS, _D)
    wlin_t = W_lin.T
    ws_t = W_msg[:, :_D].T
    wdc_t = wlin_t @ W_msg[:, _D:2 * _D].T
    wec_t = wlin_t @ W_msg[:, 2 * _D:].T

    src = connectivitys[:, 0, :].astype(jnp.int32)
    idx_all = (src.T * _B
               + jnp.arange(_B, dtype=jnp.int32)[None, :]).reshape(_E * _B)

    def _ae_map(i):
        return (jnp.where(i < _LBLKS, i, _EBOFF - _LBLKS + i), 0)

    big = pl.pallas_call(
        _lv0_kernel,
        grid=(_LBLKS + _E * _B // _BLK,),
        in_specs=[pl.BlockSpec((_BLK, _D), _ae_map), _W128],
        out_specs=pl.BlockSpec((_BLK, _D), _ae_map),
        out_shape=jax.ShapeDtypeStruct((_NROWS, _D), jnp.float32),
    )(a, wlin_t)

    for l in range(1, _NUM_LEVELS):
        g = _gather(big, idx_all[(l - 1) * _RPL:l * _RPL])
        big = pl.pallas_call(
            _level_kernel,
            grid=(_LBLKS,),
            in_specs=[pl.BlockSpec((_BLK, _D), _off(0)),
                      pl.BlockSpec((_BLK, _D), _off(l * _LBLKS)),
                      pl.BlockSpec((_BLK, _D),
                                   _off(_EBOFF + (l - 1) * _LBLKS)),
                      _W128, _W128, _W128,
                      pl.BlockSpec(memory_space=pl.ANY)],
            out_specs=pl.BlockSpec((_BLK, _D), _off(l * _LBLKS)),
            out_shape=jax.ShapeDtypeStruct((_NROWS, _D), jnp.float32),
            input_output_aliases={6: 0},
        )(g, a, a, ws_t, wdc_t, wec_t, big)

    return big.reshape(_L, _B, _D)

# --- scband reference (transcript-rebuilt; emitter-appended) ---
"""Pipeline reference for scband-tree-lstm-layer-dgl-36215164240833 (READ-ONLY COPY).

The authoritative reference and input builder live on the scoring server;
editing this copy changes nothing except your own understanding.
"""

import jax, jax.numpy as jnp
import numpy as np

N = 8192
NPL = 1024
NUM_LEVELS = 8
E = N - NPL
B = 16
L = N + E
D = 128


def setup_inputs(seed: int = 0) -> dict:
    key = jax.random.key(seed)
    k1, k2, k3, k4 = jax.random.split(key, 4)
    all_feats = jax.random.normal(k1, (L, B, D), dtype=jnp.float32)
    # Layered tree/DAG per batch element: node i has topological level i // NPL.
    # Every node at level l >= 1 has exactly one incoming edge from a random node at level l-1.
    dst = jnp.arange(NPL, N, dtype=jnp.int32)
    lev = dst // NPL
    src_off = jax.random.randint(k2, (B, E), 0, NPL, dtype=jnp.int32)
    src = (lev - 1)[None, :] * NPL + src_off
    connectivitys = jnp.stack([src, jnp.broadcast_to(dst[None, :], (B, E))], axis=1)
    # seg_ids: first N positions are nodes (+1), remaining E positions are edges (-1)
    all_seg_ids = jnp.concatenate([jnp.ones((B, N), dtype=jnp.int32), -jnp.ones((B, E), dtype=jnp.int32)], axis=1)
    # learned params (torch Linear weight layout [out, in], no bias)
    W_lin = jax.random.normal(k3, (D, D), dtype=jnp.float32) * 0.05
    W_msg = jax.random.normal(k4, (D, 3 * D), dtype=jnp.float32) * 0.05
    return {"connectivitys": connectivitys, "all_seg_ids": all_seg_ids, "all_feats": all_feats, "W_lin": W_lin, "W_msg": W_msg}


def _propagate(conn, x, e, W_msg):
    # Faithful dgl.prop_nodes_topo: process nodes frontier-by-frontier in topological
    # order; message = Linear(cat[src_x, dst_x, e]); reduce = min over incoming
    # messages; apply = identity. dst_x read is the pre-update value of that frontier.
    src = conn[0]
    dst = conn[1]
    node_levels = jnp.arange(N, dtype=jnp.int32) // NPL
    dst_lev = node_levels[dst]
    for l in range(1, NUM_LEVELS):
        mask = dst_lev == l
        cat = jnp.concatenate([x[src], x[dst], e], axis=-1)
        msg = cat @ W_msg.T
        msg_m = jnp.where(mask[:, None], msg, jnp.inf)
        red = jnp.full((N, D), jnp.inf, dtype=x.dtype).at[dst].min(msg_m)
        cnt = jnp.zeros((N,), dtype=jnp.float32).at[dst].add(mask.astype(jnp.float32))
        x = jnp.where((cnt > 0)[:, None], red, x)
    return x, e


def reference(connectivitys, all_seg_ids, all_feats, W_lin, W_msg):
    feats = all_feats @ W_lin.T  # [L, B, D]
    x0 = jnp.transpose(feats[:N], (1, 0, 2))      # node feats per batch [B, N, D]
    e0 = jnp.transpose(feats[N:N + E], (1, 0, 2))  # edge feats per batch [B, E, D]
    x_out, e_out = jax.vmap(lambda c, x, e: _propagate(c, x, e, W_msg))(connectivitys, x0, e0)
    # write propagated node feats back into node positions; edge feats unchanged
    out = feats.at[:N].set(jnp.transpose(x_out, (1, 0, 2)))
    out = out.at[N:N + E].set(jnp.transpose(e_out, (1, 0, 2)))
    return out

if __name__ == "__main__":
    import jax
    _d = setup_inputs()
    print(jax.jit(kernel)(*tuple(_d.values())))

</pallas_src>

<mosaic_0001>
#map = affine_map<(d0, d1) -> (0, 0)>
#map1 = affine_map<(d0, d1) -> (0)>
module attributes {stable_mosaic.version = 14 : i64} {
  func.func @sc_gather(%arg0: i32, %arg1: i32, %arg2: memref<245760x128xf32, #tpu.memory_space<hbm>>, %arg3: memref<16384xi32, #tpu.memory_space<hbm>>, %arg4: memref<16384x128xf32, #tpu.memory_space<hbm>>, %arg5: memref<512xi32, #tpu.memory_space<vmem>>, %arg6: memref<512x128xf32, #tpu.memory_space<vmem>>, %arg7: memref<!tpu.dma_semaphore, #tpu.memory_space<semaphore_mem>>) attributes {dimension_semantics = [#tpu.dimension_semantics<core_parallel>, #tpu.dimension_semantics<subcore_parallel>], iteration_bounds = array<i64: 2, 16>, scalar_prefetch = 0 : i64, scratch_operands = 3 : i64, tpu.core_type = #tpu.core_type<sc_vector_subcore>, window_params = [{transform_indices = #map}, {transform_indices = #map1}, {transform_indices = #map}]} {
    %mul3A = arith.constant 2 : i32
    %mul3A_0 = arith.muli %arg1, %mul3A : i32
    %add3A = arith.addi %mul3A_0, %arg0 : i32
    %mul3A_1 = arith.constant 512 : i32
    %mul3A_2 = arith.muli %add3A, %mul3A_1 : i32
    "tpu.region"() ({
      %run_scoped3A = tpu.sem_alloc : memref<!tpu.dma_semaphore, #tpu.memory_space<semaphore_mem>>
      %dma_start3A_7 = tpu.memref_slice %arg3[%mul3A_2] : memref<16384xi32, #tpu.memory_space<hbm>> -> memref<512xi32, #tpu.memory_space<hbm>>
      %dma_start3A_8 = tpu.memref_slice %arg3[%mul3A_2] : memref<16384xi32, #tpu.memory_space<hbm>> -> memref<512xi32, #tpu.memory_space<hbm>>
      tpu.enqueue_dma source(%dma_start3A_8 : memref<512xi32, #tpu.memory_space<hbm>>) target(%arg5 : memref<512xi32, #tpu.memory_space<vmem>>) target_semaphore(%run_scoped3A : memref<!tpu.dma_semaphore, #tpu.memory_space<semaphore_mem>>)
      %dma_wait3A_9 = tpu.memref_slice %arg3[%mul3A_2] : memref<16384xi32, #tpu.memory_space<hbm>> -> memref<512xi32, #tpu.memory_space<hbm>>
      %dma_wait3A_10 = tpu.memref_slice %arg3[%mul3A_2] : memref<16384xi32, #tpu.memory_space<hbm>> -> memref<512xi32, #tpu.memory_space<hbm>>
      tpu.wait_dma2 semaphore(%run_scoped3A : memref<!tpu.dma_semaphore, #tpu.memory_space<semaphore_mem>>) src(%dma_wait3A_10 : memref<512xi32, #tpu.memory_space<hbm>>) dst(%arg5 : memref<512xi32, #tpu.memory_space<vmem>>)
      tpu.yield
    }) : () -> ()
    %dma_start3A = arith.constant 0 : i32
    %dma_start3A_3 = arith.constant 0 : i32
    %dma_start3A_4 = tpu.memref_slice %arg2[%dma_start3A, %dma_start3A_3] : memref<245760x128xf32, #tpu.memory_space<hbm>> -> memref<245760x128xf32, #tpu.memory_space<hbm>>
    tpu.enqueue_indirect_dma source(%dma_start3A_4 : memref<245760x128xf32, #tpu.memory_space<hbm>>) target(%arg6 : memref<512x128xf32, #tpu.memory_space<vmem>>) offsets(%arg5 : memref<512xi32, #tpu.memory_space<vmem>>) semaphore(%arg7 : memref<!tpu.dma_semaphore, #tpu.memory_space<semaphore_mem>>)
    %dma_wait3A = arith.constant 0 : i32
    %dma_wait3A_5 = arith.constant 0 : i32
    %dma_wait3A_6 = tpu.memref_slice %arg2[%dma_wait3A, %dma_wait3A_5] : memref<245760x128xf32, #tpu.memory_space<hbm>> -> memref<245760x128xf32, #tpu.memory_space<hbm>>
    tpu.wait_indirect_dma semaphore(%arg7 : memref<!tpu.dma_semaphore, #tpu.memory_space<semaphore_mem>>) src(%dma_wait3A_6 : memref<245760x128xf32, #tpu.memory_space<hbm>>) dst(%arg6 : memref<512x128xf32, #tpu.memory_space<vmem>>)
    "tpu.region"() ({
      %run_scoped3A = tpu.sem_alloc : memref<!tpu.dma_semaphore, #tpu.memory_space<semaphore_mem>>
      %dma_start3A_7 = arith.constant 0 : i32
      %dma_start3A_8 = tpu.memref_slice %arg4[%mul3A_2, %dma_start3A_7] : memref<16384x128xf32, #tpu.memory_space<hbm>> -> memref<512x128xf32, #tpu.memory_space<hbm>>
      %dma_start3A_9 = arith.constant 0 : i32
      %dma_start3A_10 = tpu.memref_slice %arg4[%mul3A_2, %dma_start3A_9] : memref<16384x128xf32, #tpu.memory_space<hbm>> -> memref<512x128xf32, #tpu.memory_space<hbm>>
      tpu.enqueue_dma source(%arg6 : memref<512x128xf32, #tpu.memory_space<vmem>>) target(%dma_start3A_10 : memref<512x128xf32, #tpu.memory_space<hbm>>) target_semaphore(%run_scoped3A : memref<!tpu.dma_semaphore, #tpu.memory_space<semaphore_mem>>)
      %dma_wait3A_11 = arith.constant 0 : i32
      %dma_wait3A_12 = tpu.memref_slice %arg4[%mul3A_2, %dma_wait3A_11] : memref<16384x128xf32, #tpu.memory_space<hbm>> -> memref<512x128xf32, #tpu.memory_space<hbm>>
      %dma_wait3A_13 = arith.constant 0 : i32
      %dma_wait3A_14 = tpu.memref_slice %arg4[%mul3A_2, %dma_wait3A_13] : memref<16384x128xf32, #tpu.memory_space<hbm>> -> memref<512x128xf32, #tpu.memory_space<hbm>>
      tpu.wait_dma2 semaphore(%run_scoped3A : memref<!tpu.dma_semaphore, #tpu.memory_space<semaphore_mem>>) src(%arg6 : memref<512x128xf32, #tpu.memory_space<vmem>>) dst(%dma_wait3A_14 : memref<512x128xf32, #tpu.memory_space<hbm>>)
      tpu.yield
    }) : () -> ()
    return
  }
}

#map = affine_map<(d0, d1) -> (0, 0)>
#map1 = affine_map<(d0, d1) -> (0)>
module attributes {stable_mosaic.version = 14 : i64} {
  func.func @sc_gather(%arg0: i32, %arg1: i32, %arg2: memref<245760x128xf32, #tpu.memory_space<hbm>>, %arg3: memref<16384xi32, #tpu.memory_space<hbm>>, %arg4: memref<16384x128xf32, #tpu.memory_space<hbm>>, %arg5: memref<512xi32, #tpu.memory_space<vmem>>, %arg6: memref<512x128xf32, #tpu.memory_space<vmem>>, %arg7: memref<!tpu.dma_semaphore, #tpu.memory_space<semaphore_mem>>) attributes {dimension_semantics = [#tpu.dimension_semantics<core_parallel>, #tpu.dimension_semantics<subcore_parallel>], iteration_bounds = array<i64: 2, 16>, scalar_prefetch = 0 : i64, scratch_operands = 3 : i64, tpu.core_type = #tpu.core_type<sc_vector_subcore>, window_params = [{transform_indices = #map}, {transform_indices = #map1}, {transform_indices = #map}]} {
    %mul3A = arith.constant 2 : i32
    %mul3A_0 = arith.muli %arg1, %mul3A : i32
    %add3A = arith.addi %mul3A_0, %arg0 : i32
    %mul3A_1 = arith.constant 512 : i32
    %mul3A_2 = arith.muli %add3A, %mul3A_1 : i32
    "tpu.region"() ({
      %run_scoped3A = tpu.sem_alloc : memref<!tpu.dma_semaphore, #tpu.memory_space<semaphore_mem>>
      %dma_start3A_7 = tpu.memref_slice %arg3[%mul3A_2] : memref<16384xi32, #tpu.memory_space<hbm>> -> memref<512xi32, #tpu.memory_space<hbm>>
      %dma_start3A_8 = tpu.memref_slice %arg3[%mul3A_2] : memref<16384xi32, #tpu.memory_space<hbm>> -> memref<512xi32, #tpu.memory_space<hbm>>
      tpu.enqueue_dma source(%dma_start3A_8 : memref<512xi32, #tpu.memory_space<hbm>>) target(%arg5 : memref<512xi32, #tpu.memory_space<vmem>>) target_semaphore(%run_scoped3A : memref<!tpu.dma_semaphore, #tpu.memory_space<semaphore_mem>>)
      %dma_wait3A_9 = tpu.memref_slice %arg3[%mul3A_2] : memref<16384xi32, #tpu.memory_space<hbm>> -> memref<512xi32, #tpu.memory_space<hbm>>
      %dma_wait3A_10 = tpu.memref_slice %arg3[%mul3A_2] : memref<16384xi32, #tpu.memory_space<hbm>> -> memref<512xi32, #tpu.memory_space<hbm>>
      tpu.wait_dma2 semaphore(%run_scoped3A : memref<!tpu.dma_semaphore, #tpu.memory_space<semaphore_mem>>) src(%dma_wait3A_10 : memref<512xi32, #tpu.memory_space<hbm>>) dst(%arg5 : memref<512xi32, #tpu.memory_space<vmem>>)
      tpu.yield
    }) : () -> ()
    %dma_start3A = arith.constant 0 : i32
    %dma_start3A_3 = arith.constant 0 : i32
    %dma_start3A_4 = tpu.memref_slice %arg2[%dma_start3A, %dma_start3A_3] : memref<245760x128xf32, #tpu.memory_space<hbm>> -> memref<245760x128xf32, #tpu.memory_space<hbm>>
    tpu.enqueue_indirect_dma source(%dma_start3A_4 : memref<245760x128xf32, #tpu.memory_space<hbm>>) target(%arg6 : memref<512x128xf32, #tpu.memory_space<vmem>>) offsets(%arg5 : memref<512xi32, #tpu.memory_space<vmem>>) semaphore(%arg7 : memref<!tpu.dma_semaphore, #tpu.memory_space<semaphore_mem>>)
    %dma_wait3A = arith.constant 0 : i32
    %dma_wait3A_5 = arith.constant 0 : i32
    %dma_wait3A_6 = tpu.memref_slice %arg2[%dma_wait3A, %dma_wait3A_5] : memref<245760x128xf32, #tpu.memory_space<hbm>> -> memref<245760x128xf32, #tpu.memory_space<hbm>>
    tpu.wait_indirect_dma semaphore(%arg7 : memref<!tpu.dma_semaphore, #tpu.memory_space<semaphore_mem>>) src(%dma_wait3A_6 : memref<245760x128xf32, #tpu.memory_space<hbm>>) dst(%arg6 : memref<512x128xf32, #tpu.memory_space<vmem>>)
    "tpu.region"() ({
      %run_scoped3A = tpu.sem_alloc : memref<!tpu.dma_semaphore, #tpu.memory_space<semaphore_mem>>
      %dma_start3A_7 = arith.constant 0 : i32
      %dma_start3A_8 = tpu.memref_slice %arg4[%mul3A_2, %dma_start3A_7] : memref<16384x128xf32, #tpu.memory_space<hbm>> -> memref<512x128xf32, #tpu.memory_space<hbm>>
      %dma_start3A_9 = arith.constant 0 : i32
      %dma_start3A_10 = tpu.memref_slice %arg4[%mul3A_2, %dma_start3A_9] : memref<16384x128xf32, #tpu.memory_space<hbm>> -> memref<512x128xf32, #tpu.memory_space<hbm>>
      tpu.enqueue_dma source(%arg6 : memref<512x128xf32, #tpu.memory_space<vmem>>) target(%dma_start3A_10 : memref<512x128xf32, #tpu.memory_space<hbm>>) target_semaphore(%run_scoped3A : memref<!tpu.dma_semaphore, #tpu.memory_space<semaphore_mem>>)
      %dma_wait3A_11 = arith.constant 0 : i32
      %dma_wait3A_12 = tpu.memref_slice %arg4[%mul3A_2, %dma_wait3A_11] : memref<16384x128xf32, #tpu.memory_space<hbm>> -> memref<512x128xf32, #tpu.memory_space<hbm>>
      %dma_wait3A_13 = arith.constant 0 : i32
      %dma_wait3A_14 = tpu.memref_slice %arg4[%mul3A_2, %dma_wait3A_13] : memref<16384x128xf32, #tpu.memory_space<hbm>> -> memref<512x128xf32, #tpu.memory_space<hbm>>
      tpu.wait_dma2 semaphore(%run_scoped3A : memref<!tpu.dma_semaphore, #tpu.memory_space<semaphore_mem>>) src(%arg6 : memref<512x128xf32, #tpu.memory_space<vmem>>) dst(%dma_wait3A_14 : memref<512x128xf32, #tpu.memory_space<hbm>>)
      tpu.yield
    }) : () -> ()
    return
  }
}

#map = affine_map<(d0, d1) -> (0, 0)>
#map1 = affine_map<(d0, d1) -> (0)>
module attributes {stable_mosaic.version = 14 : i64} {
  func.func @sc_gather(%arg0: i32, %arg1: i32, %arg2: memref<245760x128xf32, #tpu.memory_space<hbm>>, %arg3: memref<16384xi32, #tpu.memory_space<hbm>>, %arg4: memref<16384x128xf32, #tpu.memory_space<hbm>>, %arg5: memref<512xi32, #tpu.memory_space<vmem>>, %arg6: memref<512x128xf32, #tpu.memory_space<vmem>>, %arg7: memref<!tpu.dma_semaphore, #tpu.memory_space<semaphore_mem>>) attributes {dimension_semantics = [#tpu.dimension_semantics<core_parallel>, #tpu.dimension_semantics<subcore_parallel>], iteration_bounds = array<i64: 2, 16>, scalar_prefetch = 0 : i64, scratch_operands = 3 : i64, tpu.core_type = #tpu.core_type<sc_vector_subcore>, window_params = [{transform_indices = #map}, {transform_indices = #map1}, {transform_indices = #map}]} {
    %mul3A = arith.constant 2 : i32
    %mul3A_0 = arith.muli %arg1, %mul3A : i32
    %add3A = arith.addi %mul3A_0, %arg0 : i32
    %mul3A_1 = arith.constant 512 : i32
    %mul3A_2 = arith.muli %add3A, %mul3A_1 : i32
    "tpu.region"() ({
      %run_scoped3A = tpu.sem_alloc : memref<!tpu.dma_semaphore, #tpu.memory_space<semaphore_mem>>
      %dma_start3A_7 = tpu.memref_slice %arg3[%mul3A_2] : memref<16384xi32, #tpu.memory_space<hbm>> -> memref<512xi32, #tpu.memory_space<hbm>>
      %dma_start3A_8 = tpu.memref_slice %arg3[%mul3A_2] : memref<16384xi32, #tpu.memory_space<hbm>> -> memref<512xi32, #tpu.memory_space<hbm>>
      tpu.enqueue_dma source(%dma_start3A_8 : memref<512xi32, #tpu.memory_space<hbm>>) target(%arg5 : memref<512xi32, #tpu.memory_space<vmem>>) target_semaphore(%run_scoped3A : memref<!tpu.dma_semaphore, #tpu.memory_space<semaphore_mem>>)
      %dma_wait3A_9 = tpu.memref_slice %arg3[%mul3A_2] : memref<16384xi32, #tpu.memory_space<hbm>> -> memref<512xi32, #tpu.memory_space<hbm>>
      %dma_wait3A_10 = tpu.memref_slice %arg3[%mul3A_2] : memref<16384xi32, #tpu.memory_space<hbm>> -> memref<512xi32, #tpu.memory_space<hbm>>
      tpu.wait_dma2 semaphore(%run_scoped3A : memref<!tpu.dma_semaphore, #tpu.memory_space<semaphore_mem>>) src(%dma_wait3A_10 : memref<512xi32, #tpu.memory_space<hbm>>) dst(%arg5 : memref<512xi32, #tpu.memory_space<vmem>>)
      tpu.yield
    }) : () -> ()
    %dma_start3A = arith.constant 0 : i32
    %dma_start3A_3 = arith.constant 0 : i32
    %dma_start3A_4 = tpu.memref_slice %arg2[%dma_start3A, %dma_start3A_3] : memref<245760x128xf32, #tpu.memory_space<hbm>> -> memref<245760x128xf32, #tpu.memory_space<hbm>>
    tpu.enqueue_indirect_dma source(%dma_start3A_4 : memref<245760x128xf32, #tpu.memory_space<hbm>>) target(%arg6 : memref<512x128xf32, #tpu.memory_space<vmem>>) offsets(%arg5 : memref<512xi32, #tpu.memory_space<vmem>>) semaphore(%arg7 : memref<!tpu.dma_semaphore, #tpu.memory_space<semaphore_mem>>)
    %dma_wait3A = arith.constant 0 : i32
    %dma_wait3A_5 = arith.constant 0 : i32
    %dma_wait3A_6 = tpu.memref_slice %arg2[%dma_wait3A, %dma_wait3A_5] : memref<245760x128xf32, #tpu.memory_space<hbm>> -> memref<245760x128xf32, #tpu.memory_space<hbm>>
    tpu.wait_indirect_dma semaphore(%arg7 : memref<!tpu.dma_semaphore, #tpu.memory_space<semaphore_mem>>) src(%dma_wait3A_6 : memref<245760x128xf32, #tpu.memory_space<hbm>>) dst(%arg6 : memref<512x128xf32, #tpu.memory_space<vmem>>)
    "tpu.region"() ({
      %run_scoped3A = tpu.sem_alloc : memref<!tpu.dma_semaphore, #tpu.memory_space<semaphore_mem>>
      %dma_start3A_7 = arith.constant 0 : i32
      %dma_start3A_8 = tpu.memref_slice %arg4[%mul3A_2, %dma_start3A_7] : memref<16384x128xf32, #tpu.memory_space<hbm>> -> memref<512x128xf32, #tpu.memory_space<hbm>>
      %dma_start3A_9 = arith.constant 0 : i32
      %dma_start3A_10 = tpu.memref_slice %arg4[%mul3A_2, %dma_start3A_9] : memref<16384x128xf32, #tpu.memory_space<hbm>> -> memref<512x128xf32, #tpu.memory_space<hbm>>
      tpu.enqueue_dma source(%arg6 : memref<512x128xf32, #tpu.memory_space<vmem>>) target(%dma_start3A_10 : memref<512x128xf32, #tpu.memory_space<hbm>>) target_semaphore(%run_scoped3A : memref<!tpu.dma_semaphore, #tpu.memory_space<semaphore_mem>>)
      %dma_wait3A_11 = arith.constant 0 : i32
      %dma_wait3A_12 = tpu.memref_slice %arg4[%mul3A_2, %dma_wait3A_11] : memref<16384x128xf32, #tpu.memory_space<hbm>> -> memref<512x128xf32, #tpu.memory_space<hbm>>
      %dma_wait3A_13 = arith.constant 0 : i32
      %dma_wait3A_14 = tpu.memref_slice %arg4[%mul3A_2, %dma_wait3A_13] : memref<16384x128xf32, #tpu.memory_space<hbm>> -> memref<512x128xf32, #tpu.memory_space<hbm>>
      tpu.wait_dma2 semaphore(%run_scoped3A : memref<!tpu.dma_semaphore, #tpu.memory_space<semaphore_mem>>) src(%arg6 : memref<512x128xf32, #tpu.memory_space<vmem>>) dst(%dma_wait3A_14 : memref<512x128xf32, #tpu.memory_space<hbm>>)
      tpu.yield
    }) : () -> ()
    return
  }
}

#map = affine_map<(d0, d1) -> (0, 0)>
#map1 = affine_map<(d0, d1) -> (0)>
module attributes {stable_mosaic.version = 14 : i64} {
  func.func @sc_gather(%arg0: i32, %arg1: i32, %arg2: memref<245760x128xf32, #tpu.memory_space<hbm>>, %arg3: memref<16384xi32, #tpu.memory_space<hbm>>, %arg4: memref<16384x128xf32, #tpu.memory_space<hbm>>, %arg5: memref<512xi32, #tpu.memory_space<vmem>>, %arg6: memref<512x128xf32, #tpu.memory_space<vmem>>, %arg7: memref<!tpu.dma_semaphore, #tpu.memory_space<semaphore_mem>>) attributes {dimension_semantics = [#tpu.dimension_semantics<core_parallel>, #tpu.dimension_semantics<subcore_parallel>], iteration_bounds = array<i64: 2, 16>, scalar_prefetch = 0 : i64, scratch_operands = 3 : i64, tpu.core_type = #tpu.core_type<sc_vector_subcore>, window_params = [{transform_indices = #map}, {transform_indices = #map1}, {transform_indices = #map}]} {
    %mul3A = arith.constant 2 : i32
    %mul3A_0 = arith.muli %arg1, %mul3A : i32
    %add3A = arith.addi %mul3A_0, %arg0 : i32
    %mul3A_1 = arith.constant 512 : i32
    %mul3A_2 = arith.muli %add3A, %mul3A_1 : i32
    "tpu.region"() ({
      %run_scoped3A = tpu.sem_alloc : memref<!tpu.dma_semaphore, #tpu.memory_space<semaphore_mem>>
      %dma_start3A_7 = tpu.memref_slice %arg3[%mul3A_2] : memref<16384xi32, #tpu.memory_space<hbm>> -> memref<512xi32, #tpu.memory_space<hbm>>
      %dma_start3A_8 = tpu.memref_slice %arg3[%mul3A_2] : memref<16384xi32, #tpu.memory_space<hbm>> -> memref<512xi32, #tpu.memory_space<hbm>>
      tpu.enqueue_dma source(%dma_start3A_8 : memref<512xi32, #tpu.memory_space<hbm>>) target(%arg5 : memref<512xi32, #tpu.memory_space<vmem>>) target_semaphore(%run_scoped3A : memref<!tpu.dma_semaphore, #tpu.memory_space<semaphore_mem>>)
      %dma_wait3A_9 = tpu.memref_slice %arg3[%mul3A_2] : memref<16384xi32, #tpu.memory_space<hbm>> -> memref<512xi32, #tpu.memory_space<hbm>>
      %dma_wait3A_10 = tpu.memref_slice %arg3[%mul3A_2] : memref<16384xi32, #tpu.memory_space<hbm>> -> memref<512xi32, #tpu.memory_space<hbm>>
      tpu.wait_dma2 semaphore(%run_scoped3A : memref<!tpu.dma_semaphore, #tpu.memory_space<semaphore_mem>>) src(%dma_wait3A_10 : memref<512xi32, #tpu.memory_space<hbm>>) dst(%arg5 : memref<512xi32, #tpu.memory_space<vmem>>)
      tpu.yield
    }) : () -> ()
    %dma_start3A = arith.constant 0 : i32
    %dma_start3A_3 = arith.constant 0 : i32
    %dma_start3A_4 = tpu.memref_slice %arg2[%dma_start3A, %dma_start3A_3] : memref<245760x128xf32, #tpu.memory_space<hbm>> -> memref<245760x128xf32, #tpu.memory_space<hbm>>
    tpu.enqueue_indirect_dma source(%dma_start3A_4 : memref<245760x128xf32, #tpu.memory_space<hbm>>) target(%arg6 : memref<512x128xf32, #tpu.memory_space<vmem>>) offsets(%arg5 : memref<512xi32, #tpu.memory_space<vmem>>) semaphore(%arg7 : memref<!tpu.dma_semaphore, #tpu.memory_space<semaphore_mem>>)
    %dma_wait3A = arith.constant 0 : i32
    %dma_wait3A_5 = arith.constant 0 : i32
    %dma_wait3A_6 = tpu.memref_slice %arg2[%dma_wait3A, %dma_wait3A_5] : memref<245760x128xf32, #tpu.memory_space<hbm>> -> memref<245760x128xf32, #tpu.memory_space<hbm>>
    tpu.wait_indirect_dma semaphore(%arg7 : memref<!tpu.dma_semaphore, #tpu.memory_space<semaphore_mem>>) src(%dma_wait3A_6 : memref<245760x128xf32, #tpu.memory_space<hbm>>) dst(%arg6 : memref<512x128xf32, #tpu.memory_space<vmem>>)
    "tpu.region"() ({
      %run_scoped3A = tpu.sem_alloc : memref<!tpu.dma_semaphore, #tpu.memory_space<semaphore_mem>>
      %dma_start3A_7 = arith.constant 0 : i32
      %dma_start3A_8 = tpu.memref_slice %arg4[%mul3A_2, %dma_start3A_7] : memref<16384x128xf32, #tpu.memory_space<hbm>> -> memref<512x128xf32, #tpu.memory_space<hbm>>
      %dma_start3A_9 = arith.constant 0 : i32
      %dma_start3A_10 = tpu.memref_slice %arg4[%mul3A_2, %dma_start3A_9] : memref<16384x128xf32, #tpu.memory_space<hbm>> -> memref<512x128xf32, #tpu.memory_space<hbm>>
      tpu.enqueue_dma source(%arg6 : memref<512x128xf32, #tpu.memory_space<vmem>>) target(%dma_start3A_10 : memref<512x128xf32, #tpu.memory_space<hbm>>) target_semaphore(%run_scoped3A : memref<!tpu.dma_semaphore, #tpu.memory_space<semaphore_mem>>)
      %dma_wait3A_11 = arith.constant 0 : i32
      %dma_wait3A_12 = tpu.memref_slice %arg4[%mul3A_2, %dma_wait3A_11] : memref<16384x128xf32, #tpu.memory_space<hbm>> -> memref<512x128xf32, #tpu.memory_space<hbm>>
      %dma_wait3A_13 = arith.constant 0 : i32
      %dma_wait3A_14 = tpu.memref_slice %arg4[%mul3A_2, %dma_wait3A_13] : memref<16384x128xf32, #tpu.memory_space<hbm>> -> memref<512x128xf32, #tpu.memory_space<hbm>>
      tpu.wait_dma2 semaphore(%run_scoped3A : memref<!tpu.dma_semaphore, #tpu.memory_space<semaphore_mem>>) src(%arg6 : memref<512x128xf32, #tpu.memory_space<vmem>>) dst(%dma_wait3A_14 : memref<512x128xf32, #tpu.memory_space<hbm>>)
      tpu.yield
    }) : () -> ()
    return
  }
}

#map = affine_map<(d0, d1) -> (0, 0)>
#map1 = affine_map<(d0, d1) -> (0)>
module attributes {stable_mosaic.version = 14 : i64} {
  func.func @sc_gather(%arg0: i32, %arg1: i32, %arg2: memref<245760x128xf32, #tpu.memory_space<hbm>>, %arg3: memref<16384xi32, #tpu.memory_space<hbm>>, %arg4: memref<16384x128xf32, #tpu.memory_space<hbm>>, %arg5: memref<512xi32, #tpu.memory_space<vmem>>, %arg6: memref<512x128xf32, #tpu.memory_space<vmem>>, %arg7: memref<!tpu.dma_semaphore, #tpu.memory_space<semaphore_mem>>) attributes {dimension_semantics = [#tpu.dimension_semantics<core_parallel>, #tpu.dimension_semantics<subcore_parallel>], iteration_bounds = array<i64: 2, 16>, scalar_prefetch = 0 : i64, scratch_operands = 3 : i64, tpu.core_type = #tpu.core_type<sc_vector_subcore>, window_params = [{transform_indices = #map}, {transform_indices = #map1}, {transform_indices = #map}]} {
    %mul3A = arith.constant 2 : i32
    %mul3A_0 = arith.muli %arg1, %mul3A : i32
    %add3A = arith.addi %mul3A_0, %arg0 : i32
    %mul3A_1 = arith.constant 512 : i32
    %mul3A_2 = arith.muli %add3A, %mul3A_1 : i32
    "tpu.region"() ({
      %run_scoped3A = tpu.sem_alloc : memref<!tpu.dma_semaphore, #tpu.memory_space<semaphore_mem>>
      %dma_start3A_7 = tpu.memref_slice %arg3[%mul3A_2] : memref<16384xi32, #tpu.memory_space<hbm>> -> memref<512xi32, #tpu.memory_space<hbm>>
      %dma_start3A_8 = tpu.memref_slice %arg3[%mul3A_2] : memref<16384xi32, #tpu.memory_space<hbm>> -> memref<512xi32, #tpu.memory_space<hbm>>
      tpu.enqueue_dma source(%dma_start3A_8 : memref<512xi32, #tpu.memory_space<hbm>>) target(%arg5 : memref<512xi32, #tpu.memory_space<vmem>>) target_semaphore(%run_scoped3A : memref<!tpu.dma_semaphore, #tpu.memory_space<semaphore_mem>>)
      %dma_wait3A_9 = tpu.memref_slice %arg3[%mul3A_2] : memref<16384xi32, #tpu.memory_space<hbm>> -> memref<512xi32, #tpu.memory_space<hbm>>
      %dma_wait3A_10 = tpu.memref_slice %arg3[%mul3A_2] : memref<16384xi32, #tpu.memory_space<hbm>> -> memref<512xi32, #tpu.memory_space<hbm>>
      tpu.wait_dma2 semaphore(%run_scoped3A : memref<!tpu.dma_semaphore, #tpu.memory_space<semaphore_mem>>) src(%dma_wait3A_10 : memref<512xi32, #tpu.memory_space<hbm>>) dst(%arg5 : memref<512xi32, #tpu.memory_space<vmem>>)
      tpu.yield
    }) : () -> ()
    %dma_start3A = arith.constant 0 : i32
    %dma_start3A_3 = arith.constant 0 : i32
    %dma_start3A_4 = tpu.memref_slice %arg2[%dma_start3A, %dma_start3A_3] : memref<245760x128xf32, #tpu.memory_space<hbm>> -> memref<245760x128xf32, #tpu.memory_space<hbm>>
    tpu.enqueue_indirect_dma source(%dma_start3A_4 : memref<245760x128xf32, #tpu.memory_space<hbm>>) target(%arg6 : memref<512x128xf32, #tpu.memory_space<vmem>>) offsets(%arg5 : memref<512xi32, #tpu.memory_space<vmem>>) semaphore(%arg7 : memref<!tpu.dma_semaphore, #tpu.memory_space<semaphore_mem>>)
    %dma_wait3A = arith.constant 0 : i32
    %dma_wait3A_5 = arith.constant 0 : i32
    %dma_wait3A_6 = tpu.memref_slice %arg2[%dma_wait3A, %dma_wait3A_5] : memref<245760x128xf32, #tpu.memory_space<hbm>> -> memref<245760x128xf32, #tpu.memory_space<hbm>>
    tpu.wait_indirect_dma semaphore(%arg7 : memref<!tpu.dma_semaphore, #tpu.memory_space<semaphore_mem>>) src(%dma_wait3A_6 : memref<245760x128xf32, #tpu.memory_space<hbm>>) dst(%arg6 : memref<512x128xf32, #tpu.memory_space<vmem>>)
    "tpu.region"() ({
      %run_scoped3A = tpu.sem_alloc : memref<!tpu.dma_semaphore, #tpu.memory_space<semaphore_mem>>
      %dma_start3A_7 = arith.constant 0 : i32
      %dma_start3A_8 = tpu.memref_slice %arg4[%mul3A_2, %dma_start3A_7] : memref<16384x128xf32, #tpu.memory_space<hbm>> -> memref<512x128xf32, #tpu.memory_space<hbm>>
      %dma_start3A_9 = arith.constant 0 : i32
      %dma_start3A_10 = tpu.memref_slice %arg4[%mul3A_2, %dma_start3A_9] : memref<16384x128xf32, #tpu.memory_space<hbm>> -> memref<512x128xf32, #tpu.memory_space<hbm>>
      tpu.enqueue_dma source(%arg6 : memref<512x128xf32, #tpu.memory_space<vmem>>) target(%dma_start3A_10 : memref<512x128xf32, #tpu.memory_space<hbm>>) target_semaphore(%run_scoped3A : memref<!tpu.dma_semaphore, #tpu.memory_space<semaphore_mem>>)
      %dma_wait3A_11 = arith.constant 0 : i32
      %dma_wait3A_12 = tpu.memref_slice %arg4[%mul3A_2, %dma_wait3A_11] : memref<16384x128xf32, #tpu.memory_space<hbm>> -> memref<512x128xf32, #tpu.memory_space<hbm>>
      %dma_wait3A_13 = arith.constant 0 : i32
      %dma_wait3A_14 = tpu.memref_slice %arg4[%mul3A_2, %dma_wait3A_13] : memref<16384x128xf32, #tpu.memory_space<hbm>> -> memref<512x128xf32, #tpu.memory_space<hbm>>
      tpu.wait_dma2 semaphore(%run_scoped3A : memref<!tpu.dma_semaphore, #tpu.memory_space<semaphore_mem>>) src(%arg6 : memref<512x128xf32, #tpu.memory_space<vmem>>) dst(%dma_wait3A_14 : memref<512x128xf32, #tpu.memory_space<hbm>>)
      tpu.yield
    }) : () -> ()
    return
  }
}

#map = affine_map<(d0, d1) -> (0, 0)>
#map1 = affine_map<(d0, d1) -> (0)>
module attributes {stable_mosaic.version = 14 : i64} {
  func.func @sc_gather(%arg0: i32, %arg1: i32, %arg2: memref<245760x128xf32, #tpu.memory_space<hbm>>, %arg3: memref<16384xi32, #tpu.memory_space<hbm>>, %arg4: memref<16384x128xf32, #tpu.memory_space<hbm>>, %arg5: memref<512xi32, #tpu.memory_space<vmem>>, %arg6: memref<512x128xf32, #tpu.memory_space<vmem>>, %arg7: memref<!tpu.dma_semaphore, #tpu.memory_space<semaphore_mem>>) attributes {dimension_semantics = [#tpu.dimension_semantics<core_parallel>, #tpu.dimension_semantics<subcore_parallel>], iteration_bounds = array<i64: 2, 16>, scalar_prefetch = 0 : i64, scratch_operands = 3 : i64, tpu.core_type = #tpu.core_type<sc_vector_subcore>, window_params = [{transform_indices = #map}, {transform_indices = #map1}, {transform_indices = #map}]} {
    %mul3A = arith.constant 2 : i32
    %mul3A_0 = arith.muli %arg1, %mul3A : i32
    %add3A = arith.addi %mul3A_0, %arg0 : i32
    %mul3A_1 = arith.constant 512 : i32
    %mul3A_2 = arith.muli %add3A, %mul3A_1 : i32
    "tpu.region"() ({
      %run_scoped3A = tpu.sem_alloc : memref<!tpu.dma_semaphore, #tpu.memory_space<semaphore_mem>>
      %dma_start3A_7 = tpu.memref_slice %arg3[%mul3A_2] : memref<16384xi32, #tpu.memory_space<hbm>> -> memref<512xi32, #tpu.memory_space<hbm>>
      %dma_start3A_8 = tpu.memref_slice %arg3[%mul3A_2] : memref<16384xi32, #tpu.memory_space<hbm>> -> memref<512xi32, #tpu.memory_space<hbm>>
      tpu.enqueue_dma source(%dma_start3A_8 : memref<512xi32, #tpu.memory_space<hbm>>) target(%arg5 : memref<512xi32, #tpu.memory_space<vmem>>) target_semaphore(%run_scoped3A : memref<!tpu.dma_semaphore, #tpu.memory_space<semaphore_mem>>)
      %dma_wait3A_9 = tpu.memref_slice %arg3[%mul3A_2] : memref<16384xi32, #tpu.memory_space<hbm>> -> memref<512xi32, #tpu.memory_space<hbm>>
      %dma_wait3A_10 = tpu.memref_slice %arg3[%mul3A_2] : memref<16384xi32, #tpu.memory_space<hbm>> -> memref<512xi32, #tpu.memory_space<hbm>>
      tpu.wait_dma2 semaphore(%run_scoped3A : memref<!tpu.dma_semaphore, #tpu.memory_space<semaphore_mem>>) src(%dma_wait3A_10 : memref<512xi32, #tpu.memory_space<hbm>>) dst(%arg5 : memref<512xi32, #tpu.memory_space<vmem>>)
      tpu.yield
    }) : () -> ()
    %dma_start3A = arith.constant 0 : i32
    %dma_start3A_3 = arith.constant 0 : i32
    %dma_start3A_4 = tpu.memref_slice %arg2[%dma_start3A, %dma_start3A_3] : memref<245760x128xf32, #tpu.memory_space<hbm>> -> memref<245760x128xf32, #tpu.memory_space<hbm>>
    tpu.enqueue_indirect_dma source(%dma_start3A_4 : memref<245760x128xf32, #tpu.memory_space<hbm>>) target(%arg6 : memref<512x128xf32, #tpu.memory_space<vmem>>) offsets(%arg5 : memref<512xi32, #tpu.memory_space<vmem>>) semaphore(%arg7 : memref<!tpu.dma_semaphore, #tpu.memory_space<semaphore_mem>>)
    %dma_wait3A = arith.constant 0 : i32
    %dma_wait3A_5 = arith.constant 0 : i32
    %dma_wait3A_6 = tpu.memref_slice %arg2[%dma_wait3A, %dma_wait3A_5] : memref<245760x128xf32, #tpu.memory_space<hbm>> -> memref<245760x128xf32, #tpu.memory_space<hbm>>
    tpu.wait_indirect_dma semaphore(%arg7 : memref<!tpu.dma_semaphore, #tpu.memory_space<semaphore_mem>>) src(%dma_wait3A_6 : memref<245760x128xf32, #tpu.memory_space<hbm>>) dst(%arg6 : memref<512x128xf32, #tpu.memory_space<vmem>>)
    "tpu.region"() ({
      %run_scoped3A = tpu.sem_alloc : memref<!tpu.dma_semaphore, #tpu.memory_space<semaphore_mem>>
      %dma_start3A_7 = arith.constant 0 : i32
      %dma_start3A_8 = tpu.memref_slice %arg4[%mul3A_2, %dma_start3A_7] : memref<16384x128xf32, #tpu.memory_space<hbm>> -> memref<512x128xf32, #tpu.memory_space<hbm>>
      %dma_start3A_9 = arith.constant 0 : i32
      %dma_start3A_10 = tpu.memref_slice %arg4[%mul3A_2, %dma_start3A_9] : memref<16384x128xf32, #tpu.memory_space<hbm>> -> memref<512x128xf32, #tpu.memory_space<hbm>>
      tpu.enqueue_dma source(%arg6 : memref<512x128xf32, #tpu.memory_space<vmem>>) target(%dma_start3A_10 : memref<512x128xf32, #tpu.memory_space<hbm>>) target_semaphore(%run_scoped3A : memref<!tpu.dma_semaphore, #tpu.memory_space<semaphore_mem>>)
      %dma_wait3A_11 = arith.constant 0 : i32
      %dma_wait3A_12 = tpu.memref_slice %arg4[%mul3A_2, %dma_wait3A_11] : memref<16384x128xf32, #tpu.memory_space<hbm>> -> memref<512x128xf32, #tpu.memory_space<hbm>>
      %dma_wait3A_13 = arith.constant 0 : i32
      %dma_wait3A_14 = tpu.memref_slice %arg4[%mul3A_2, %dma_wait3A_13] : memref<16384x128xf32, #tpu.memory_space<hbm>> -> memref<512x128xf32, #tpu.memory_space<hbm>>
      tpu.wait_dma2 semaphore(%run_scoped3A : memref<!tpu.dma_semaphore, #tpu.memory_space<semaphore_mem>>) src(%arg6 : memref<512x128xf32, #tpu.memory_space<vmem>>) dst(%dma_wait3A_14 : memref<512x128xf32, #tpu.memory_space<hbm>>)
      tpu.yield
    }) : () -> ()
    return
  }
}

#map = affine_map<(d0, d1) -> (0, 0)>
#map1 = affine_map<(d0, d1) -> (0)>
module attributes {stable_mosaic.version = 14 : i64} {
  func.func @sc_gather(%arg0: i32, %arg1: i32, %arg2: memref<245760x128xf32, #tpu.memory_space<hbm>>, %arg3: memref<16384xi32, #tpu.memory_space<hbm>>, %arg4: memref<16384x128xf32, #tpu.memory_space<hbm>>, %arg5: memref<512xi32, #tpu.memory_space<vmem>>, %arg6: memref<512x128xf32, #tpu.memory_space<vmem>>, %arg7: memref<!tpu.dma_semaphore, #tpu.memory_space<semaphore_mem>>) attributes {dimension_semantics = [#tpu.dimension_semantics<core_parallel>, #tpu.dimension_semantics<subcore_parallel>], iteration_bounds = array<i64: 2, 16>, scalar_prefetch = 0 : i64, scratch_operands = 3 : i64, tpu.core_type = #tpu.core_type<sc_vector_subcore>, window_params = [{transform_indices = #map}, {transform_indices = #map1}, {transform_indices = #map}]} {
    %mul3A = arith.constant 2 : i32
    %mul3A_0 = arith.muli %arg1, %mul3A : i32
    %add3A = arith.addi %mul3A_0, %arg0 : i32
    %mul3A_1 = arith.constant 512 : i32
    %mul3A_2 = arith.muli %add3A, %mul3A_1 : i32
    "tpu.region"() ({
      %run_scoped3A = tpu.sem_alloc : memref<!tpu.dma_semaphore, #tpu.memory_space<semaphore_mem>>
      %dma_start3A_7 = tpu.memref_slice %arg3[%mul3A_2] : memref<16384xi32, #tpu.memory_space<hbm>> -> memref<512xi32, #tpu.memory_space<hbm>>
      %dma_start3A_8 = tpu.memref_slice %arg3[%mul3A_2] : memref<16384xi32, #tpu.memory_space<hbm>> -> memref<512xi32, #tpu.memory_space<hbm>>
      tpu.enqueue_dma source(%dma_start3A_8 : memref<512xi32, #tpu.memory_space<hbm>>) target(%arg5 : memref<512xi32, #tpu.memory_space<vmem>>) target_semaphore(%run_scoped3A : memref<!tpu.dma_semaphore, #tpu.memory_space<semaphore_mem>>)
      %dma_wait3A_9 = tpu.memref_slice %arg3[%mul3A_2] : memref<16384xi32, #tpu.memory_space<hbm>> -> memref<512xi32, #tpu.memory_space<hbm>>
      %dma_wait3A_10 = tpu.memref_slice %arg3[%mul3A_2] : memref<16384xi32, #tpu.memory_space<hbm>> -> memref<512xi32, #tpu.memory_space<hbm>>
      tpu.wait_dma2 semaphore(%run_scoped3A : memref<!tpu.dma_semaphore, #tpu.memory_space<semaphore_mem>>) src(%dma_wait3A_10 : memref<512xi32, #tpu.memory_space<hbm>>) dst(%arg5 : memref<512xi32, #tpu.memory_space<vmem>>)
      tpu.yield
    }) : () -> ()
    %dma_start3A = arith.constant 0 : i32
    %dma_start3A_3 = arith.constant 0 : i32
    %dma_start3A_4 = tpu.memref_slice %arg2[%dma_start3A, %dma_start3A_3] : memref<245760x128xf32, #tpu.memory_space<hbm>> -> memref<245760x128xf32, #tpu.memory_space<hbm>>
    tpu.enqueue_indirect_dma source(%dma_start3A_4 : memref<245760x128xf32, #tpu.memory_space<hbm>>) target(%arg6 : memref<512x128xf32, #tpu.memory_space<vmem>>) offsets(%arg5 : memref<512xi32, #tpu.memory_space<vmem>>) semaphore(%arg7 : memref<!tpu.dma_semaphore, #tpu.memory_space<semaphore_mem>>)
    %dma_wait3A = arith.constant 0 : i32
    %dma_wait3A_5 = arith.constant 0 : i32
    %dma_wait3A_6 = tpu.memref_slice %arg2[%dma_wait3A, %dma_wait3A_5] : memref<245760x128xf32, #tpu.memory_space<hbm>> -> memref<245760x128xf32, #tpu.memory_space<hbm>>
    tpu.wait_indirect_dma semaphore(%arg7 : memref<!tpu.dma_semaphore, #tpu.memory_space<semaphore_mem>>) src(%dma_wait3A_6 : memref<245760x128xf32, #tpu.memory_space<hbm>>) dst(%arg6 : memref<512x128xf32, #tpu.memory_space<vmem>>)
    "tpu.region"() ({
      %run_scoped3A = tpu.sem_alloc : memref<!tpu.dma_semaphore, #tpu.memory_space<semaphore_mem>>
      %dma_start3A_7 = arith.constant 0 : i32
      %dma_start3A_8 = tpu.memref_slice %arg4[%mul3A_2, %dma_start3A_7] : memref<16384x128xf32, #tpu.memory_space<hbm>> -> memref<512x128xf32, #tpu.memory_space<hbm>>
      %dma_start3A_9 = arith.constant 0 : i32
      %dma_start3A_10 = tpu.memref_slice %arg4[%mul3A_2, %dma_start3A_9] : memref<16384x128xf32, #tpu.memory_space<hbm>> -> memref<512x128xf32, #tpu.memory_space<hbm>>
      tpu.enqueue_dma source(%arg6 : memref<512x128xf32, #tpu.memory_space<vmem>>) target(%dma_start3A_10 : memref<512x128xf32, #tpu.memory_space<hbm>>) target_semaphore(%run_scoped3A : memref<!tpu.dma_semaphore, #tpu.memory_space<semaphore_mem>>)
      %dma_wait3A_11 = arith.constant 0 : i32
      %dma_wait3A_12 = tpu.memref_slice %arg4[%mul3A_2, %dma_wait3A_11] : memref<16384x128xf32, #tpu.memory_space<hbm>> -> memref<512x128xf32, #tpu.memory_space<hbm>>
      %dma_wait3A_13 = arith.constant 0 : i32
      %dma_wait3A_14 = tpu.memref_slice %arg4[%mul3A_2, %dma_wait3A_13] : memref<16384x128xf32, #tpu.memory_space<hbm>> -> memref<512x128xf32, #tpu.memory_space<hbm>>
      tpu.wait_dma2 semaphore(%run_scoped3A : memref<!tpu.dma_semaphore, #tpu.memory_space<semaphore_mem>>) src(%arg6 : memref<512x128xf32, #tpu.memory_space<vmem>>) dst(%dma_wait3A_14 : memref<512x128xf32, #tpu.memory_space<hbm>>)
      tpu.yield
    }) : () -> ()
    return
  }
}

module attributes {stable_mosaic.version = 14 : i64} {
  func.func @_lv0_kernel(%arg0: i32, %arg1: memref<16384x128xf32, #tpu.memory_space<vmem>>, %arg2: memref<128x128xf32, #tpu.memory_space<vmem>>, %arg3: memref<16384x128xf32, #tpu.memory_space<vmem>>) attributes {dimension_semantics = [#tpu.dimension_semantics<arbitrary>], iteration_bounds = array<i64: 8>, scalar_prefetch = 0 : i64, scratch_operands = 0 : i64, tpu.core_type = #tpu.core_type<tc>, window_params = [{transform_indices = @transform_0, window_bounds = array<i64: 16384, 128>}, {pipeline_mode = #tpu.pipeline_mode<synchronous>, transform_indices = @transform_1, window_bounds = array<i64: 128, 128>}, {transform_indices = @transform_2, window_bounds = array<i64: 16384, 128>}]} {
    %get3A = arith.constant 0 : index
    %get3A_0 = arith.constant 0 : index
    %get3A_1 = vector.load %arg1[%get3A, %get3A_0] : memref<16384x128xf32, #tpu.memory_space<vmem>>, vector<16384x128xf32>
    %get3A_2 = arith.constant 0 : index
    %get3A_3 = arith.constant 0 : index
    %get3A_4 = vector.load %arg2[%get3A_2, %get3A_3] : memref<128x128xf32, #tpu.memory_space<vmem>>, vector<128x128xf32>
    %dot_general3A = arith.constant dense<0.000000e+00> : vector<16384x128xf32>
    %dot_general3A_5 = tpu.matmul %get3A_1, %get3A_4, %dot_general3A {dimension_numbers = #tpu.dot_dimension_numbers<[1], [0], [0], [1], [0, 0, 1, 1], [], []>, transpose_lhs_hint = false} : vector<16384x128xf32>, vector<128x128xf32>, vector<16384x128xf32> -> vector<16384x128xf32>
    %swap3A = arith.constant 0 : index
    %swap3A_6 = arith.constant 0 : index
    %swap3A_7 = vector.load %arg3[%swap3A, %swap3A_6] : memref<16384x128xf32, #tpu.memory_space<vmem>>, vector<16384x128xf32>
    tpu.vector_store %arg3[%swap3A, %swap3A_6], %dot_general3A_5 {strides = array<i32>} : memref<16384x128xf32, #tpu.memory_space<vmem>>, vector<16384x128xf32>,
    return
  }
  func.func @transform_0(%arg0: i32) -> (i32, i32) {
    %lt3A = arith.constant 1 : i32
    %lt3A_0 = arith.cmpi slt, %arg0, %lt3A : i32
    %add3A = arith.constant 7 : i32
    %add3A_1 = arith.addi %add3A, %arg0 : i32
    %select_n3A = arith.select %lt3A_0, %arg0, %add3A_1 : i32
    %c0_i32 = arith.constant 0 : i32
    %c0_i32_2 = arith.constant 0 : i32
    return %select_n3A, %c0_i32 : i32, i32
  }
  func.func @transform_1(%arg0: i32) -> (i32, i32) {
    %c0_i32 = arith.constant 0 : i32
    %c0_i32_0 = arith.constant 0 : i32
    %c0_i32_1 = arith.constant 0 : i32
    return %c0_i32, %c0_i32_0 : i32, i32
  }
  func.func @transform_2(%arg0: i32) -> (i32, i32) {
    %lt3A = arith.constant 1 : i32
    %lt3A_0 = arith.cmpi slt, %arg0, %lt3A : i32
    %add3A = arith.constant 7 : i32
    %add3A_1 = arith.addi %add3A, %arg0 : i32
    %select_n3A = arith.select %lt3A_0, %arg0, %add3A_1 : i32
    %c0_i32 = arith.constant 0 : i32
    %c0_i32_2 = arith.constant 0 : i32
    return %select_n3A, %c0_i32 : i32, i32
  }
}

module attributes {stable_mosaic.version = 14 : i64} {
  func.func @_level_kernel(%arg0: i32, %arg1: memref<16384x128xf32, #tpu.memory_space<vmem>>, %arg2: memref<16384x128xf32, #tpu.memory_space<vmem>>, %arg3: memref<16384x128xf32, #tpu.memory_space<vmem>>, %arg4: memref<128x128xf32, #tpu.memory_space<vmem>>, %arg5: memref<128x128xf32, #tpu.memory_space<vmem>>, %arg6: memref<128x128xf32, #tpu.memory_space<vmem>>, %arg7: memref<245760x128xf32, #tpu.memory_space<any>>, %arg8: memref<16384x128xf32, #tpu.memory_space<vmem>>) attributes {dimension_semantics = [#tpu.dimension_semantics<arbitrary>], iteration_bounds = array<i64: 1>, scalar_prefetch = 0 : i64, scratch_operands = 0 : i64, tpu.core_type = #tpu.core_type<tc>, window_params = [{transform_indices = @transform_0, window_bounds = array<i64: 16384, 128>}, {transform_indices = @transform_1, window_bounds = array<i64: 16384, 128>}, {transform_indices = @transform_2, window_bounds = array<i64: 16384, 128>}, {pipeline_mode = #tpu.pipeline_mode<synchronous>, transform_indices = @transform_3, window_bounds = array<i64: 128, 128>}, {pipeline_mode = #tpu.pipeline_mode<synchronous>, transform_indices = @transform_4, window_bounds = array<i64: 128, 128>}, {pipeline_mode = #tpu.pipeline_mode<synchronous>, transform_indices = @transform_5, window_bounds = array<i64: 128, 128>}, {}, {transform_indices = @transform_7, window_bounds = array<i64: 16384, 128>}]} {
    %get3A = arith.constant 0 : index
    %get3A_0 = arith.constant 0 : index
    %get3A_1 = vector.load %arg1[%get3A, %get3A_0] : memref<16384x128xf32, #tpu.memory_space<vmem>>, vector<16384x128xf32>
    %get3A_2 = arith.constant 0 : index
    %get3A_3 = arith.constant 0 : index
    %get3A_4 = vector.load %arg4[%get3A_2, %get3A_3] : memref<128x128xf32, #tpu.memory_space<vmem>>, vector<128x128xf32>
    %dot_general3A = arith.constant dense<0.000000e+00> : vector<16384x128xf32>
    %dot_general3A_5 = tpu.matmul %get3A_1, %get3A_4, %dot_general3A {dimension_numbers = #tpu.dot_dimension_numbers<[1], [0], [0], [1], [0, 0, 1, 1], [], []>, transpose_lhs_hint = false} : vector<16384x128xf32>, vector<128x128xf32>, vector<16384x128xf32> -> vector<16384x128xf32>
    %get3A_6 = arith.constant 0 : index
    %get3A_7 = arith.constant 0 : index
    %get3A_8 = vector.load %arg2[%get3A_6, %get3A_7] : memref<16384x128xf32, #tpu.memory_space<vmem>>, vector<16384x128xf32>
    %get3A_9 = arith.constant 0 : index
    %get3A_10 = arith.constant 0 : index
    %get3A_11 = vector.load %arg5[%get3A_9, %get3A_10] : memref<128x128xf32, #tpu.memory_space<vmem>>, vector<128x128xf32>
    %dot_general3A_12 = arith.constant dense<0.000000e+00> : vector<16384x128xf32>
    %dot_general3A_13 = tpu.matmul %get3A_8, %get3A_11, %dot_general3A_12 {dimension_numbers = #tpu.dot_dimension_numbers<[1], [0], [0], [1], [0, 0, 1, 1], [], []>, transpose_lhs_hint = false} : vector<16384x128xf32>, vector<128x128xf32>, vector<16384x128xf32> -> vector<16384x128xf32>
    %add3A = arith.addf %dot_general3A_5, %dot_general3A_13 : vector<16384x128xf32>
    %get3A_14 = arith.constant 0 : index
    %get3A_15 = arith.constant 0 : index
    %get3A_16 = vector.load %arg3[%get3A_14, %get3A_15] : memref<16384x128xf32, #tpu.memory_space<vmem>>, vector<16384x128xf32>
    %get3A_17 = arith.constant 0 : index
    %get3A_18 = arith.constant 0 : index
    %get3A_19 = vector.load %arg6[%get3A_17, %get3A_18] : memref<128x128xf32, #tpu.memory_space<vmem>>, vector<128x128xf32>
    %dot_general3A_20 = arith.constant dense<0.000000e+00> : vector<16384x128xf32>
    %dot_general3A_21 = tpu.matmul %get3A_16, %get3A_19, %dot_general3A_20 {dimension_numbers = #tpu.dot_dimension_numbers<[1], [0], [0], [1], [0, 0, 1, 1], [], []>, transpose_lhs_hint = false} : vector<16384x128xf32>, vector<128x128xf32>, vector<16384x128xf32> -> vector<16384x128xf32>
    %add3A_22 = arith.addf %add3A, %dot_general3A_21 : vector<16384x128xf32>
    %swap3A = arith.constant 0 : index
    %swap3A_23 = arith.constant 0 : index
    %swap3A_24 = vector.load %arg8[%swap3A, %swap3A_23] : memref<16384x128xf32, #tpu.memory_space<vmem>>, vector<16384x128xf32>
    tpu.vector_store %arg8[%swap3A, %swap3A_23], %add3A_22 {strides = array<i32>} : memref<16384x128xf32, #tpu.memory_space<vmem>>, vector<16384x128xf32>,
    return
  }
  func.func @transform_0(%arg0: i32) -> (i32, i32) {
    %add3A = arith.constant 0 : i32
    %add3A_0 = arith.addi %add3A, %arg0 : i32
    %c0_i32 = arith.constant 0 : i32
    %c0_i32_1 = arith.constant 0 : i32
    return %add3A_0, %c0_i32 : i32, i32
  }
  func.func @transform_1(%arg0: i32) -> (i32, i32) {
    %add3A = arith.constant 1 : i32
    %add3A_0 = arith.addi %add3A, %arg0 : i32
    %c0_i32 = arith.constant 0 : i32
    %c0_i32_1 = arith.constant 0 : i32
    return %add3A_0, %c0_i32 : i32, i32
  }
  func.func @transform_2(%arg0: i32) -> (i32, i32) {
    %add3A = arith.constant 8 : i32
    %add3A_0 = arith.addi %add3A, %arg0 : i32
    %c0_i32 = arith.constant 0 : i32
    %c0_i32_1 = arith.constant 0 : i32
    return %add3A_0, %c0_i32 : i32, i32
  }
  func.func @transform_3(%arg0: i32) -> (i32, i32) {
    %c0_i32 = arith.constant 0 : i32
    %c0_i32_0 = arith.constant 0 : i32
    %c0_i32_1 = arith.constant 0 : i32
    return %c0_i32, %c0_i32_0 : i32, i32
  }
  func.func @transform_4(%arg0: i32) -> (i32, i32) {
    %c0_i32 = arith.constant 0 : i32
    %c0_i32_0 = arith.constant 0 : i32
    %c0_i32_1 = arith.constant 0 : i32
    return %c0_i32, %c0_i32_0 : i32, i32
  }
  func.func @transform_5(%arg0: i32) -> (i32, i32) {
    %c0_i32 = arith.constant 0 : i32
    %c0_i32_0 = arith.constant 0 : i32
    %c0_i32_1 = arith.constant 0 : i32
    return %c0_i32, %c0_i32_0 : i32, i32
  }
  func.func @transform_7(%arg0: i32) -> (i32, i32) {
    %add3A = arith.constant 1 : i32
    %add3A_0 = arith.addi %add3A, %arg0 : i32
    %c0_i32 = arith.constant 0 : i32
    %c0_i32_1 = arith.constant 0 : i32
    return %add3A_0, %c0_i32 : i32, i32
  }
}

module attributes {stable_mosaic.version = 14 : i64} {
  func.func @_level_kernel(%arg0: i32, %arg1: memref<16384x128xf32, #tpu.memory_space<vmem>>, %arg2: memref<16384x128xf32, #tpu.memory_space<vmem>>, %arg3: memref<16384x128xf32, #tpu.memory_space<vmem>>, %arg4: memref<128x128xf32, #tpu.memory_space<vmem>>, %arg5: memref<128x128xf32, #tpu.memory_space<vmem>>, %arg6: memref<128x128xf32, #tpu.memory_space<vmem>>, %arg7: memref<245760x128xf32, #tpu.memory_space<any>>, %arg8: memref<16384x128xf32, #tpu.memory_space<vmem>>) attributes {dimension_semantics = [#tpu.dimension_semantics<arbitrary>], iteration_bounds = array<i64: 1>, scalar_prefetch = 0 : i64, scratch_operands = 0 : i64, tpu.core_type = #tpu.core_type<tc>, window_params = [{transform_indices = @transform_0, window_bounds = array<i64: 16384, 128>}, {transform_indices = @transform_1, window_bounds = array<i64: 16384, 128>}, {transform_indices = @transform_2, window_bounds = array<i64: 16384, 128>}, {pipeline_mode = #tpu.pipeline_mode<synchronous>, transform_indices = @transform_3, window_bounds = array<i64: 128, 128>}, {pipeline_mode = #tpu.pipeline_mode<synchronous>, transform_indices = @transform_4, window_bounds = array<i64: 128, 128>}, {pipeline_mode = #tpu.pipeline_mode<synchronous>, transform_indices = @transform_5, window_bounds = array<i64: 128, 128>}, {}, {transform_indices = @transform_7, window_bounds = array<i64: 16384, 128>}]} {
    %get3A = arith.constant 0 : index
    %get3A_0 = arith.constant 0 : index
    %get3A_1 = vector.load %arg1[%get3A, %get3A_0] : memref<16384x128xf32, #tpu.memory_space<vmem>>, vector<16384x128xf32>
    %get3A_2 = arith.constant 0 : index
    %get3A_3 = arith.constant 0 : index
    %get3A_4 = vector.load %arg4[%get3A_2, %get3A_3] : memref<128x128xf32, #tpu.memory_space<vmem>>, vector<128x128xf32>
    %dot_general3A = arith.constant dense<0.000000e+00> : vector<16384x128xf32>
    %dot_general3A_5 = tpu.matmul %get3A_1, %get3A_4, %dot_general3A {dimension_numbers = #tpu.dot_dimension_numbers<[1], [0], [0], [1], [0, 0, 1, 1], [], []>, transpose_lhs_hint = false} : vector<16384x128xf32>, vector<128x128xf32>, vector<16384x128xf32> -> vector<16384x128xf32>
    %get3A_6 = arith.constant 0 : index
    %get3A_7 = arith.constant 0 : index
    %get3A_8 = vector.load %arg2[%get3A_6, %get3A_7] : memref<16384x128xf32, #tpu.memory_space<vmem>>, vector<16384x128xf32>
    %get3A_9 = arith.constant 0 : index
    %get3A_10 = arith.constant 0 : index
    %get3A_11 = vector.load %arg5[%get3A_9, %get3A_10] : memref<128x128xf32, #tpu.memory_space<vmem>>, vector<128x128xf32>
    %dot_general3A_12 = arith.constant dense<0.000000e+00> : vector<16384x128xf32>
    %dot_general3A_13 = tpu.matmul %get3A_8, %get3A_11, %dot_general3A_12 {dimension_numbers = #tpu.dot_dimension_numbers<[1], [0], [0], [1], [0, 0, 1, 1], [], []>, transpose_lhs_hint = false} : vector<16384x128xf32>, vector<128x128xf32>, vector<16384x128xf32> -> vector<16384x128xf32>
    %add3A = arith.addf %dot_general3A_5, %dot_general3A_13 : vector<16384x128xf32>
    %get3A_14 = arith.constant 0 : index
    %get3A_15 = arith.constant 0 : index
    %get3A_16 = vector.load %arg3[%get3A_14, %get3A_15] : memref<16384x128xf32, #tpu.memory_space<vmem>>, vector<16384x128xf32>
    %get3A_17 = arith.constant 0 : index
    %get3A_18 = arith.constant 0 : index
    %get3A_19 = vector.load %arg6[%get3A_17, %get3A_18] : memref<128x128xf32, #tpu.memory_space<vmem>>, vector<128x128xf32>
    %dot_general3A_20 = arith.constant dense<0.000000e+00> : vector<16384x128xf32>
    %dot_general3A_21 = tpu.matmul %get3A_16, %get3A_19, %dot_general3A_20 {dimension_numbers = #tpu.dot_dimension_numbers<[1], [0], [0], [1], [0, 0, 1, 1], [], []>, transpose_lhs_hint = false} : vector<16384x128xf32>, vector<128x128xf32>, vector<16384x128xf32> -> vector<16384x128xf32>
    %add3A_22 = arith.addf %add3A, %dot_general3A_21 : vector<16384x128xf32>
    %swap3A = arith.constant 0 : index
    %swap3A_23 = arith.constant 0 : index
    %swap3A_24 = vector.load %arg8[%swap3A, %swap3A_23] : memref<16384x128xf32, #tpu.memory_space<vmem>>, vector<16384x128xf32>
    tpu.vector_store %arg8[%swap3A, %swap3A_23], %add3A_22 {strides = array<i32>} : memref<16384x128xf32, #tpu.memory_space<vmem>>, vector<16384x128xf32>,
    return
  }
  func.func @transform_0(%arg0: i32) -> (i32, i32) {
    %add3A = arith.constant 0 : i32
    %add3A_0 = arith.addi %add3A, %arg0 : i32
    %c0_i32 = arith.constant 0 : i32
    %c0_i32_1 = arith.constant 0 : i32
    return %add3A_0, %c0_i32 : i32, i32
  }
  func.func @transform_1(%arg0: i32) -> (i32, i32) {
    %add3A = arith.constant 2 : i32
    %add3A_0 = arith.addi %add3A, %arg0 : i32
    %c0_i32 = arith.constant 0 : i32
    %c0_i32_1 = arith.constant 0 : i32
    return %add3A_0, %c0_i32 : i32, i32
  }
  func.func @transform_2(%arg0: i32) -> (i32, i32) {
    %add3A = arith.constant 9 : i32
    %add3A_0 = arith.addi %add3A, %arg0 : i32
    %c0_i32 = arith.constant 0 : i32
    %c0_i32_1 = arith.constant 0 : i32
    return %add3A_0, %c0_i32 : i32, i32
  }
  func.func @transform_3(%arg0: i32) -> (i32, i32) {
    %c0_i32 = arith.constant 0 : i32
    %c0_i32_0 = arith.constant 0 : i32
    %c0_i32_1 = arith.constant 0 : i32
    return %c0_i32, %c0_i32_0 : i32, i32
  }
  func.func @transform_4(%arg0: i32) -> (i32, i32) {
    %c0_i32 = arith.constant 0 : i32
    %c0_i32_0 = arith.constant 0 : i32
    %c0_i32_1 = arith.constant 0 : i32
    return %c0_i32, %c0_i32_0 : i32, i32
  }
  func.func @transform_5(%arg0: i32) -> (i32, i32) {
    %c0_i32 = arith.constant 0 : i32
    %c0_i32_0 = arith.constant 0 : i32
    %c0_i32_1 = arith.constant 0 : i32
    return %c0_i32, %c0_i32_0 : i32, i32
  }
  func.func @transform_7(%arg0: i32) -> (i32, i32) {
    %add3A = arith.constant 2 : i32
    %add3A_0 = arith.addi %add3A, %arg0 : i32
    %c0_i32 = arith.constant 0 : i32
    %c0_i32_1 = arith.constant 0 : i32
    return %add3A_0, %c0_i32 : i32, i32
  }
}

module attributes {stable_mosaic.version = 14 : i64} {
  func.func @_level_kernel(%arg0: i32, %arg1: memref<16384x128xf32, #tpu.memory_space<vmem>>, %arg2: memref<16384x128xf32, #tpu.memory_space<vmem>>, %arg3: memref<16384x128xf32, #tpu.memory_space<vmem>>, %arg4: memref<128x128xf32, #tpu.memory_space<vmem>>, %arg5: memref<128x128xf32, #tpu.memory_space<vmem>>, %arg6: memref<128x128xf32, #tpu.memory_space<vmem>>, %arg7: memref<245760x128xf32, #tpu.memory_space<any>>, %arg8: memref<16384x128xf32, #tpu.memory_space<vmem>>) attributes {dimension_semantics = [#tpu.dimension_semantics<arbitrary>], iteration_bounds = array<i64: 1>, scalar_prefetch = 0 : i64, scratch_operands = 0 : i64, tpu.core_type = #tpu.core_type<tc>, window_params = [{transform_indices = @transform_0, window_bounds = array<i64: 16384, 128>}, {transform_indices = @transform_1, window_bounds = array<i64: 16384, 128>}, {transform_indices = @transform_2, window_bounds = array<i64: 16384, 128>}, {pipeline_mode = #tpu.pipeline_mode<synchronous>, transform_indices = @transform_3, window_bounds = array<i64: 128, 128>}, {pipeline_mode = #tpu.pipeline_mode<synchronous>, transform_indices = @transform_4, window_bounds = array<i64: 128, 128>}, {pipeline_mode = #tpu.pipeline_mode<synchronous>, transform_indices = @transform_5, window_bounds = array<i64: 128, 128>}, {}, {transform_indices = @transform_7, window_bounds = array<i64: 16384, 128>}]} {
    %get3A = arith.constant 0 : index
    %get3A_0 = arith.constant 0 : index
    %get3A_1 = vector.load %arg1[%get3A, %get3A_0] : memref<16384x128xf32, #tpu.memory_space<vmem>>, vector<16384x128xf32>
    %get3A_2 = arith.constant 0 : index
    %get3A_3 = arith.constant 0 : index
    %get3A_4 = vector.load %arg4[%get3A_2, %get3A_3] : memref<128x128xf32, #tpu.memory_space<vmem>>, vector<128x128xf32>
    %dot_general3A = arith.constant dense<0.000000e+00> : vector<16384x128xf32>
    %dot_general3A_5 = tpu.matmul %get3A_1, %get3A_4, %dot_general3A {dimension_numbers = #tpu.dot_dimension_numbers<[1], [0], [0], [1], [0, 0, 1, 1], [], []>, transpose_lhs_hint = false} : vector<16384x128xf32>, vector<128x128xf32>, vector<16384x128xf32> -> vector<16384x128xf32>
    %get3A_6 = arith.constant 0 : index
    %get3A_7 = arith.constant 0 : index
    %get3A_8 = vector.load %arg2[%get3A_6, %get3A_7] : memref<16384x128xf32, #tpu.memory_space<vmem>>, vector<16384x128xf32>
    %get3A_9 = arith.constant 0 : index
    %get3A_10 = arith.constant 0 : index
    %get3A_11 = vector.load %arg5[%get3A_9, %get3A_10] : memref<128x128xf32, #tpu.memory_space<vmem>>, vector<128x128xf32>
    %dot_general3A_12 = arith.constant dense<0.000000e+00> : vector<16384x128xf32>
    %dot_general3A_13 = tpu.matmul %get3A_8, %get3A_11, %dot_general3A_12 {dimension_numbers = #tpu.dot_dimension_numbers<[1], [0], [0], [1], [0, 0, 1, 1], [], []>, transpose_lhs_hint = false} : vector<16384x128xf32>, vector<128x128xf32>, vector<16384x128xf32> -> vector<16384x128xf32>
    %add3A = arith.addf %dot_general3A_5, %dot_general3A_13 : vector<16384x128xf32>
    %get3A_14 = arith.constant 0 : index
    %get3A_15 = arith.constant 0 : index
    %get3A_16 = vector.load %arg3[%get3A_14, %get3A_15] : memref<16384x128xf32, #tpu.memory_space<vmem>>, vector<16384x128xf32>
    %get3A_17 = arith.constant 0 : index
    %get3A_18 = arith.constant 0 : index
    %get3A_19 = vector.load %arg6[%get3A_17, %get3A_18] : memref<128x128xf32, #tpu.memory_space<vmem>>, vector<128x128xf32>
    %dot_general3A_20 = arith.constant dense<0.000000e+00> : vector<16384x128xf32>
    %dot_general3A_21 = tpu.matmul %get3A_16, %get3A_19, %dot_general3A_20 {dimension_numbers = #tpu.dot_dimension_numbers<[1], [0], [0], [1], [0, 0, 1, 1], [], []>, transpose_lhs_hint = false} : vector<16384x128xf32>, vector<128x128xf32>, vector<16384x128xf32> -> vector<16384x128xf32>
    %add3A_22 = arith.addf %add3A, %dot_general3A_21 : vector<16384x128xf32>
    %swap3A = arith.constant 0 : index
    %swap3A_23 = arith.constant 0 : index
    %swap3A_24 = vector.load %arg8[%swap3A, %swap3A_23] : memref<16384x128xf32, #tpu.memory_space<vmem>>, vector<16384x128xf32>
    tpu.vector_store %arg8[%swap3A, %swap3A_23], %add3A_22 {strides = array<i32>} : memref<16384x128xf32, #tpu.memory_space<vmem>>, vector<16384x128xf32>,
    return
  }
  func.func @transform_0(%arg0: i32) -> (i32, i32) {
    %add3A = arith.constant 0 : i32
    %add3A_0 = arith.addi %add3A, %arg0 : i32
    %c0_i32 = arith.constant 0 : i32
    %c0_i32_1 = arith.constant 0 : i32
    return %add3A_0, %c0_i32 : i32, i32
  }
  func.func @transform_1(%arg0: i32) -> (i32, i32) {
    %add3A = arith.constant 3 : i32
    %add3A_0 = arith.addi %add3A, %arg0 : i32
    %c0_i32 = arith.constant 0 : i32
    %c0_i32_1 = arith.constant 0 : i32
    return %add3A_0, %c0_i32 : i32, i32
  }
  func.func @transform_2(%arg0: i32) -> (i32, i32) {
    %add3A = arith.constant 10 : i32
    %add3A_0 = arith.addi %add3A, %arg0 : i32
    %c0_i32 = arith.constant 0 : i32
    %c0_i32_1 = arith.constant 0 : i32
    return %add3A_0, %c0_i32 : i32, i32
  }
  func.func @transform_3(%arg0: i32) -> (i32, i32) {
    %c0_i32 = arith.constant 0 : i32
    %c0_i32_0 = arith.constant 0 : i32
    %c0_i32_1 = arith.constant 0 : i32
    return %c0_i32, %c0_i32_0 : i32, i32
  }
  func.func @transform_4(%arg0: i32) -> (i32, i32) {
    %c0_i32 = arith.constant 0 : i32
    %c0_i32_0 = arith.constant 0 : i32
    %c0_i32_1 = arith.constant 0 : i32
    return %c0_i32, %c0_i32_0 : i32, i32
  }
  func.func @transform_5(%arg0: i32) -> (i32, i32) {
    %c0_i32 = arith.constant 0 : i32
    %c0_i32_0 = arith.constant 0 : i32
    %c0_i32_1 = arith.constant 0 : i32
    return %c0_i32, %c0_i32_0 : i32, i32
  }
  func.func @transform_7(%arg0: i32) -> (i32, i32) {
    %add3A = arith.constant 3 : i32
    %add3A_0 = arith.addi %add3A, %arg0 : i32
    %c0_i32 = arith.constant 0 : i32
    %c0_i32_1 = arith.constant 0 : i32
    return %add3A_0, %c0_i32 : i32, i32
  }
}

module attributes {stable_mosaic.version = 14 : i64} {
  func.func @_level_kernel(%arg0: i32, %arg1: memref<16384x128xf32, #tpu.memory_space<vmem>>, %arg2: memref<16384x128xf32, #tpu.memory_space<vmem>>, %arg3: memref<16384x128xf32, #tpu.memory_space<vmem>>, %arg4: memref<128x128xf32, #tpu.memory_space<vmem>>, %arg5: memref<128x128xf32, #tpu.memory_space<vmem>>, %arg6: memref<128x128xf32, #tpu.memory_space<vmem>>, %arg7: memref<245760x128xf32, #tpu.memory_space<any>>, %arg8: memref<16384x128xf32, #tpu.memory_space<vmem>>) attributes {dimension_semantics = [#tpu.dimension_semantics<arbitrary>], iteration_bounds = array<i64: 1>, scalar_prefetch = 0 : i64, scratch_operands = 0 : i64, tpu.core_type = #tpu.core_type<tc>, window_params = [{transform_indices = @transform_0, window_bounds = array<i64: 16384, 128>}, {transform_indices = @transform_1, window_bounds = array<i64: 16384, 128>}, {transform_indices = @transform_2, window_bounds = array<i64: 16384, 128>}, {pipeline_mode = #tpu.pipeline_mode<synchronous>, transform_indices = @transform_3, window_bounds = array<i64: 128, 128>}, {pipeline_mode = #tpu.pipeline_mode<synchronous>, transform_indices = @transform_4, window_bounds = array<i64: 128, 128>}, {pipeline_mode = #tpu.pipeline_mode<synchronous>, transform_indices = @transform_5, window_bounds = array<i64: 128, 128>}, {}, {transform_indices = @transform_7, window_bounds = array<i64: 16384, 128>}]} {
    %get3A = arith.constant 0 : index
    %get3A_0 = arith.constant 0 : index
    %get3A_1 = vector.load %arg1[%get3A, %get3A_0] : memref<16384x128xf32, #tpu.memory_space<vmem>>, vector<16384x128xf32>
    %get3A_2 = arith.constant 0 : index
    %get3A_3 = arith.constant 0 : index
    %get3A_4 = vector.load %arg4[%get3A_2, %get3A_3] : memref<128x128xf32, #tpu.memory_space<vmem>>, vector<128x128xf32>
    %dot_general3A = arith.constant dense<0.000000e+00> : vector<16384x128xf32>
    %dot_general3A_5 = tpu.matmul %get3A_1, %get3A_4, %dot_general3A {dimension_numbers = #tpu.dot_dimension_numbers<[1], [0], [0], [1], [0, 0, 1, 1], [], []>, transpose_lhs_hint = false} : vector<16384x128xf32>, vector<128x128xf32>, vector<16384x128xf32> -> vector<16384x128xf32>
    %get3A_6 = arith.constant 0 : index
    %get3A_7 = arith.constant 0 : index
    %get3A_8 = vector.load %arg2[%get3A_6, %get3A_7] : memref<16384x128xf32, #tpu.memory_space<vmem>>, vector<16384x128xf32>
    %get3A_9 = arith.constant 0 : index
    %get3A_10 = arith.constant 0 : index
    %get3A_11 = vector.load %arg5[%get3A_9, %get3A_10] : memref<128x128xf32, #tpu.memory_space<vmem>>, vector<128x128xf32>
    %dot_general3A_12 = arith.constant dense<0.000000e+00> : vector<16384x128xf32>
    %dot_general3A_13 = tpu.matmul %get3A_8, %get3A_11, %dot_general3A_12 {dimension_numbers = #tpu.dot_dimension_numbers<[1], [0], [0], [1], [0, 0, 1, 1], [], []>, transpose_lhs_hint = false} : vector<16384x128xf32>, vector<128x128xf32>, vector<16384x128xf32> -> vector<16384x128xf32>
    %add3A = arith.addf %dot_general3A_5, %dot_general3A_13 : vector<16384x128xf32>
    %get3A_14 = arith.constant 0 : index
    %get3A_15 = arith.constant 0 : index
    %get3A_16 = vector.load %arg3[%get3A_14, %get3A_15] : memref<16384x128xf32, #tpu.memory_space<vmem>>, vector<16384x128xf32>
    %get3A_17 = arith.constant 0 : index
    %get3A_18 = arith.constant 0 : index
    %get3A_19 = vector.load %arg6[%get3A_17, %get3A_18] : memref<128x128xf32, #tpu.memory_space<vmem>>, vector<128x128xf32>
    %dot_general3A_20 = arith.constant dense<0.000000e+00> : vector<16384x128xf32>
    %dot_general3A_21 = tpu.matmul %get3A_16, %get3A_19, %dot_general3A_20 {dimension_numbers = #tpu.dot_dimension_numbers<[1], [0], [0], [1], [0, 0, 1, 1], [], []>, transpose_lhs_hint = false} : vector<16384x128xf32>, vector<128x128xf32>, vector<16384x128xf32> -> vector<16384x128xf32>
    %add3A_22 = arith.addf %add3A, %dot_general3A_21 : vector<16384x128xf32>
    %swap3A = arith.constant 0 : index
    %swap3A_23 = arith.constant 0 : index
    %swap3A_24 = vector.load %arg8[%swap3A, %swap3A_23] : memref<16384x128xf32, #tpu.memory_space<vmem>>, vector<16384x128xf32>
    tpu.vector_store %arg8[%swap3A, %swap3A_23], %add3A_22 {strides = array<i32>} : memref<16384x128xf32, #tpu.memory_space<vmem>>, vector<16384x128xf32>,
    return
  }
  func.func @transform_0(%arg0: i32) -> (i32, i32) {
    %add3A = arith.constant 0 : i32
    %add3A_0 = arith.addi %add3A, %arg0 : i32
    %c0_i32 = arith.constant 0 : i32
    %c0_i32_1 = arith.constant 0 : i32
    return %add3A_0, %c0_i32 : i32, i32
  }
  func.func @transform_1(%arg0: i32) -> (i32, i32) {
    %add3A = arith.constant 4 : i32
    %add3A_0 = arith.addi %add3A, %arg0 : i32
    %c0_i32 = arith.constant 0 : i32
    %c0_i32_1 = arith.constant 0 : i32
    return %add3A_0, %c0_i32 : i32, i32
  }
  func.func @transform_2(%arg0: i32) -> (i32, i32) {
    %add3A = arith.constant 11 : i32
    %add3A_0 = arith.addi %add3A, %arg0 : i32
    %c0_i32 = arith.constant 0 : i32
    %c0_i32_1 = arith.constant 0 : i32
    return %add3A_0, %c0_i32 : i32, i32
  }
  func.func @transform_3(%arg0: i32) -> (i32, i32) {
    %c0_i32 = arith.constant 0 : i32
    %c0_i32_0 = arith.constant 0 : i32
    %c0_i32_1 = arith.constant 0 : i32
    return %c0_i32, %c0_i32_0 : i32, i32
  }
  func.func @transform_4(%arg0: i32) -> (i32, i32) {
    %c0_i32 = arith.constant 0 : i32
    %c0_i32_0 = arith.constant 0 : i32
    %c0_i32_1 = arith.constant 0 : i32
    return %c0_i32, %c0_i32_0 : i32, i32
  }
  func.func @transform_5(%arg0: i32) -> (i32, i32) {
    %c0_i32 = arith.constant 0 : i32
    %c0_i32_0 = arith.constant 0 : i32
    %c0_i32_1 = arith.constant 0 : i32
    return %c0_i32, %c0_i32_0 : i32, i32
  }
  func.func @transform_7(%arg0: i32) -> (i32, i32) {
    %add3A = arith.constant 4 : i32
    %add3A_0 = arith.addi %add3A, %arg0 : i32
    %c0_i32 = arith.constant 0 : i32
    %c0_i32_1 = arith.constant 0 : i32
    return %add3A_0, %c0_i32 : i32, i32
  }
}

module attributes {stable_mosaic.version = 14 : i64} {
  func.func @_level_kernel(%arg0: i32, %arg1: memref<16384x128xf32, #tpu.memory_space<vmem>>, %arg2: memref<16384x128xf32, #tpu.memory_space<vmem>>, %arg3: memref<16384x128xf32, #tpu.memory_space<vmem>>, %arg4: memref<128x128xf32, #tpu.memory_space<vmem>>, %arg5: memref<128x128xf32, #tpu.memory_space<vmem>>, %arg6: memref<128x128xf32, #tpu.memory_space<vmem>>, %arg7: memref<245760x128xf32, #tpu.memory_space<any>>, %arg8: memref<16384x128xf32, #tpu.memory_space<vmem>>) attributes {dimension_semantics = [#tpu.dimension_semantics<arbitrary>], iteration_bounds = array<i64: 1>, scalar_prefetch = 0 : i64, scratch_operands = 0 : i64, tpu.core_type = #tpu.core_type<tc>, window_params = [{transform_indices = @transform_0, window_bounds = array<i64: 16384, 128>}, {transform_indices = @transform_1, window_bounds = array<i64: 16384, 128>}, {transform_indices = @transform_2, window_bounds = array<i64: 16384, 128>}, {pipeline_mode = #tpu.pipeline_mode<synchronous>, transform_indices = @transform_3, window_bounds = array<i64: 128, 128>}, {pipeline_mode = #tpu.pipeline_mode<synchronous>, transform_indices = @transform_4, window_bounds = array<i64: 128, 128>}, {pipeline_mode = #tpu.pipeline_mode<synchronous>, transform_indices = @transform_5, window_bounds = array<i64: 128, 128>}, {}, {transform_indices = @transform_7, window_bounds = array<i64: 16384, 128>}]} {
    %get3A = arith.constant 0 : index
    %get3A_0 = arith.constant 0 : index
    %get3A_1 = vector.load %arg1[%get3A, %get3A_0] : memref<16384x128xf32, #tpu.memory_space<vmem>>, vector<16384x128xf32>
    %get3A_2 = arith.constant 0 : index
    %get3A_3 = arith.constant 0 : index
    %get3A_4 = vector.load %arg4[%get3A_2, %get3A_3] : memref<128x128xf32, #tpu.memory_space<vmem>>, vector<128x128xf32>
    %dot_general3A = arith.constant dense<0.000000e+00> : vector<16384x128xf32>
    %dot_general3A_5 = tpu.matmul %get3A_1, %get3A_4, %dot_general3A {dimension_numbers = #tpu.dot_dimension_numbers<[1], [0], [0], [1], [0, 0, 1, 1], [], []>, transpose_lhs_hint = false} : vector<16384x128xf32>, vector<128x128xf32>, vector<16384x128xf32> -> vector<16384x128xf32>
    %get3A_6 = arith.constant 0 : index
    %get3A_7 = arith.constant 0 : index
    %get3A_8 = vector.load %arg2[%get3A_6, %get3A_7] : memref<16384x128xf32, #tpu.memory_space<vmem>>, vector<16384x128xf32>
    %get3A_9 = arith.constant 0 : index
    %get3A_10 = arith.constant 0 : index
    %get3A_11 = vector.load %arg5[%get3A_9, %get3A_10] : memref<128x128xf32, #tpu.memory_space<vmem>>, vector<128x128xf32>
    %dot_general3A_12 = arith.constant dense<0.000000e+00> : vector<16384x128xf32>
    %dot_general3A_13 = tpu.matmul %get3A_8, %get3A_11, %dot_general3A_12 {dimension_numbers = #tpu.dot_dimension_numbers<[1], [0], [0], [1], [0, 0, 1, 1], [], []>, transpose_lhs_hint = false} : vector<16384x128xf32>, vector<128x128xf32>, vector<16384x128xf32> -> vector<16384x128xf32>
    %add3A = arith.addf %dot_general3A_5, %dot_general3A_13 : vector<16384x128xf32>
    %get3A_14 = arith.constant 0 : index
    %get3A_15 = arith.constant 0 : index
    %get3A_16 = vector.load %arg3[%get3A_14, %get3A_15] : memref<16384x128xf32, #tpu.memory_space<vmem>>, vector<16384x128xf32>
    %get3A_17 = arith.constant 0 : index
    %get3A_18 = arith.constant 0 : index
    %get3A_19 = vector.load %arg6[%get3A_17, %get3A_18] : memref<128x128xf32, #tpu.memory_space<vmem>>, vector<128x128xf32>
    %dot_general3A_20 = arith.constant dense<0.000000e+00> : vector<16384x128xf32>
    %dot_general3A_21 = tpu.matmul %get3A_16, %get3A_19, %dot_general3A_20 {dimension_numbers = #tpu.dot_dimension_numbers<[1], [0], [0], [1], [0, 0, 1, 1], [], []>, transpose_lhs_hint = false} : vector<16384x128xf32>, vector<128x128xf32>, vector<16384x128xf32> -> vector<16384x128xf32>
    %add3A_22 = arith.addf %add3A, %dot_general3A_21 : vector<16384x128xf32>
    %swap3A = arith.constant 0 : index
    %swap3A_23 = arith.constant 0 : index
    %swap3A_24 = vector.load %arg8[%swap3A, %swap3A_23] : memref<16384x128xf32, #tpu.memory_space<vmem>>, vector<16384x128xf32>
    tpu.vector_store %arg8[%swap3A, %swap3A_23], %add3A_22 {strides = array<i32>} : memref<16384x128xf32, #tpu.memory_space<vmem>>, vector<16384x128xf32>,
    return
  }
  func.func @transform_0(%arg0: i32) -> (i32, i32) {
    %add3A = arith.constant 0 : i32
    %add3A_0 = arith.addi %add3A, %arg0 : i32
    %c0_i32 = arith.constant 0 : i32
    %c0_i32_1 = arith.constant 0 : i32
    return %add3A_0, %c0_i32 : i32, i32
  }
  func.func @transform_1(%arg0: i32) -> (i32, i32) {
    %add3A = arith.constant 5 : i32
    %add3A_0 = arith.addi %add3A, %arg0 : i32
    %c0_i32 = arith.constant 0 : i32
    %c0_i32_1 = arith.constant 0 : i32
    return %add3A_0, %c0_i32 : i32, i32
  }
  func.func @transform_2(%arg0: i32) -> (i32, i32) {
    %add3A = arith.constant 12 : i32
    %add3A_0 = arith.addi %add3A, %arg0 : i32
    %c0_i32 = arith.constant 0 : i32
    %c0_i32_1 = arith.constant 0 : i32
    return %add3A_0, %c0_i32 : i32, i32
  }
  func.func @transform_3(%arg0: i32) -> (i32, i32) {
    %c0_i32 = arith.constant 0 : i32
    %c0_i32_0 = arith.constant 0 : i32
    %c0_i32_1 = arith.constant 0 : i32
    return %c0_i32, %c0_i32_0 : i32, i32
  }
  func.func @transform_4(%arg0: i32) -> (i32, i32) {
    %c0_i32 = arith.constant 0 : i32
    %c0_i32_0 = arith.constant 0 : i32
    %c0_i32_1 = arith.constant 0 : i32
    return %c0_i32, %c0_i32_0 : i32, i32
  }
  func.func @transform_5(%arg0: i32) -> (i32, i32) {
    %c0_i32 = arith.constant 0 : i32
    %c0_i32_0 = arith.constant 0 : i32
    %c0_i32_1 = arith.constant 0 : i32
    return %c0_i32, %c0_i32_0 : i32, i32
  }
  func.func @transform_7(%arg0: i32) -> (i32, i32) {
    %add3A = arith.constant 5 : i32
    %add3A_0 = arith.addi %add3A, %arg0 : i32
    %c0_i32 = arith.constant 0 : i32
    %c0_i32_1 = arith.constant 0 : i32
    return %add3A_0, %c0_i32 : i32, i32
  }
}

module attributes {stable_mosaic.version = 14 : i64} {
  func.func @_level_kernel(%arg0: i32, %arg1: memref<16384x128xf32, #tpu.memory_space<vmem>>, %arg2: memref<16384x128xf32, #tpu.memory_space<vmem>>, %arg3: memref<16384x128xf32, #tpu.memory_space<vmem>>, %arg4: memref<128x128xf32, #tpu.memory_space<vmem>>, %arg5: memref<128x128xf32, #tpu.memory_space<vmem>>, %arg6: memref<128x128xf32, #tpu.memory_space<vmem>>, %arg7: memref<245760x128xf32, #tpu.memory_space<any>>, %arg8: memref<16384x128xf32, #tpu.memory_space<vmem>>) attributes {dimension_semantics = [#tpu.dimension_semantics<arbitrary>], iteration_bounds = array<i64: 1>, scalar_prefetch = 0 : i64, scratch_operands = 0 : i64, tpu.core_type = #tpu.core_type<tc>, window_params = [{transform_indices = @transform_0, window_bounds = array<i64: 16384, 128>}, {transform_indices = @transform_1, window_bounds = array<i64: 16384, 128>}, {transform_indices = @transform_2, window_bounds = array<i64: 16384, 128>}, {pipeline_mode = #tpu.pipeline_mode<synchronous>, transform_indices = @transform_3, window_bounds = array<i64: 128, 128>}, {pipeline_mode = #tpu.pipeline_mode<synchronous>, transform_indices = @transform_4, window_bounds = array<i64: 128, 128>}, {pipeline_mode = #tpu.pipeline_mode<synchronous>, transform_indices = @transform_5, window_bounds = array<i64: 128, 128>}, {}, {transform_indices = @transform_7, window_bounds = array<i64: 16384, 128>}]} {
    %get3A = arith.constant 0 : index
    %get3A_0 = arith.constant 0 : index
    %get3A_1 = vector.load %arg1[%get3A, %get3A_0] : memref<16384x128xf32, #tpu.memory_space<vmem>>, vector<16384x128xf32>
    %get3A_2 = arith.constant 0 : index
    %get3A_3 = arith.constant 0 : index
    %get3A_4 = vector.load %arg4[%get3A_2, %get3A_3] : memref<128x128xf32, #tpu.memory_space<vmem>>, vector<128x128xf32>
    %dot_general3A = arith.constant dense<0.000000e+00> : vector<16384x128xf32>
    %dot_general3A_5 = tpu.matmul %get3A_1, %get3A_4, %dot_general3A {dimension_numbers = #tpu.dot_dimension_numbers<[1], [0], [0], [1], [0, 0, 1, 1], [], []>, transpose_lhs_hint = false} : vector<16384x128xf32>, vector<128x128xf32>, vector<16384x128xf32> -> vector<16384x128xf32>
    %get3A_6 = arith.constant 0 : index
    %get3A_7 = arith.constant 0 : index
    %get3A_8 = vector.load %arg2[%get3A_6, %get3A_7] : memref<16384x128xf32, #tpu.memory_space<vmem>>, vector<16384x128xf32>
    %get3A_9 = arith.constant 0 : index
    %get3A_10 = arith.constant 0 : index
    %get3A_11 = vector.load %arg5[%get3A_9, %get3A_10] : memref<128x128xf32, #tpu.memory_space<vmem>>, vector<128x128xf32>
    %dot_general3A_12 = arith.constant dense<0.000000e+00> : vector<16384x128xf32>
    %dot_general3A_13 = tpu.matmul %get3A_8, %get3A_11, %dot_general3A_12 {dimension_numbers = #tpu.dot_dimension_numbers<[1], [0], [0], [1], [0, 0, 1, 1], [], []>, transpose_lhs_hint = false} : vector<16384x128xf32>, vector<128x128xf32>, vector<16384x128xf32> -> vector<16384x128xf32>
    %add3A = arith.addf %dot_general3A_5, %dot_general3A_13 : vector<16384x128xf32>
    %get3A_14 = arith.constant 0 : index
    %get3A_15 = arith.constant 0 : index
    %get3A_16 = vector.load %arg3[%get3A_14, %get3A_15] : memref<16384x128xf32, #tpu.memory_space<vmem>>, vector<16384x128xf32>
    %get3A_17 = arith.constant 0 : index
    %get3A_18 = arith.constant 0 : index
    %get3A_19 = vector.load %arg6[%get3A_17, %get3A_18] : memref<128x128xf32, #tpu.memory_space<vmem>>, vector<128x128xf32>
    %dot_general3A_20 = arith.constant dense<0.000000e+00> : vector<16384x128xf32>
    %dot_general3A_21 = tpu.matmul %get3A_16, %get3A_19, %dot_general3A_20 {dimension_numbers = #tpu.dot_dimension_numbers<[1], [0], [0], [1], [0, 0, 1, 1], [], []>, transpose_lhs_hint = false} : vector<16384x128xf32>, vector<128x128xf32>, vector<16384x128xf32> -> vector<16384x128xf32>
    %add3A_22 = arith.addf %add3A, %dot_general3A_21 : vector<16384x128xf32>
    %swap3A = arith.constant 0 : index
    %swap3A_23 = arith.constant 0 : index
    %swap3A_24 = vector.load %arg8[%swap3A, %swap3A_23] : memref<16384x128xf32, #tpu.memory_space<vmem>>, vector<16384x128xf32>
    tpu.vector_store %arg8[%swap3A, %swap3A_23], %add3A_22 {strides = array<i32>} : memref<16384x128xf32, #tpu.memory_space<vmem>>, vector<16384x128xf32>,
    return
  }
  func.func @transform_0(%arg0: i32) -> (i32, i32) {
    %add3A = arith.constant 0 : i32
    %add3A_0 = arith.addi %add3A, %arg0 : i32
    %c0_i32 = arith.constant 0 : i32
    %c0_i32_1 = arith.constant 0 : i32
    return %add3A_0, %c0_i32 : i32, i32
  }
  func.func @transform_1(%arg0: i32) -> (i32, i32) {
    %add3A = arith.constant 6 : i32
    %add3A_0 = arith.addi %add3A, %arg0 : i32
    %c0_i32 = arith.constant 0 : i32
    %c0_i32_1 = arith.constant 0 : i32
    return %add3A_0, %c0_i32 : i32, i32
  }
  func.func @transform_2(%arg0: i32) -> (i32, i32) {
    %add3A = arith.constant 13 : i32
    %add3A_0 = arith.addi %add3A, %arg0 : i32
    %c0_i32 = arith.constant 0 : i32
    %c0_i32_1 = arith.constant 0 : i32
    return %add3A_0, %c0_i32 : i32, i32
  }
  func.func @transform_3(%arg0: i32) -> (i32, i32) {
    %c0_i32 = arith.constant 0 : i32
    %c0_i32_0 = arith.constant 0 : i32
    %c0_i32_1 = arith.constant 0 : i32
    return %c0_i32, %c0_i32_0 : i32, i32
  }
  func.func @transform_4(%arg0: i32) -> (i32, i32) {
    %c0_i32 = arith.constant 0 : i32
    %c0_i32_0 = arith.constant 0 : i32
    %c0_i32_1 = arith.constant 0 : i32
    return %c0_i32, %c0_i32_0 : i32, i32
  }
  func.func @transform_5(%arg0: i32) -> (i32, i32) {
    %c0_i32 = arith.constant 0 : i32
    %c0_i32_0 = arith.constant 0 : i32
    %c0_i32_1 = arith.constant 0 : i32
    return %c0_i32, %c0_i32_0 : i32, i32
  }
  func.func @transform_7(%arg0: i32) -> (i32, i32) {
    %add3A = arith.constant 6 : i32
    %add3A_0 = arith.addi %add3A, %arg0 : i32
    %c0_i32 = arith.constant 0 : i32
    %c0_i32_1 = arith.constant 0 : i32
    return %add3A_0, %c0_i32 : i32, i32
  }
}

module attributes {stable_mosaic.version = 14 : i64} {
  func.func @_level_kernel(%arg0: i32, %arg1: memref<16384x128xf32, #tpu.memory_space<vmem>>, %arg2: memref<16384x128xf32, #tpu.memory_space<vmem>>, %arg3: memref<16384x128xf32, #tpu.memory_space<vmem>>, %arg4: memref<128x128xf32, #tpu.memory_space<vmem>>, %arg5: memref<128x128xf32, #tpu.memory_space<vmem>>, %arg6: memref<128x128xf32, #tpu.memory_space<vmem>>, %arg7: memref<245760x128xf32, #tpu.memory_space<any>>, %arg8: memref<16384x128xf32, #tpu.memory_space<vmem>>) attributes {dimension_semantics = [#tpu.dimension_semantics<arbitrary>], iteration_bounds = array<i64: 1>, scalar_prefetch = 0 : i64, scratch_operands = 0 : i64, tpu.core_type = #tpu.core_type<tc>, window_params = [{transform_indices = @transform_0, window_bounds = array<i64: 16384, 128>}, {transform_indices = @transform_1, window_bounds = array<i64: 16384, 128>}, {transform_indices = @transform_2, window_bounds = array<i64: 16384, 128>}, {pipeline_mode = #tpu.pipeline_mode<synchronous>, transform_indices = @transform_3, window_bounds = array<i64: 128, 128>}, {pipeline_mode = #tpu.pipeline_mode<synchronous>, transform_indices = @transform_4, window_bounds = array<i64: 128, 128>}, {pipeline_mode = #tpu.pipeline_mode<synchronous>, transform_indices = @transform_5, window_bounds = array<i64: 128, 128>}, {}, {transform_indices = @transform_7, window_bounds = array<i64: 16384, 128>}]} {
    %get3A = arith.constant 0 : index
    %get3A_0 = arith.constant 0 : index
    %get3A_1 = vector.load %arg1[%get3A, %get3A_0] : memref<16384x128xf32, #tpu.memory_space<vmem>>, vector<16384x128xf32>
    %get3A_2 = arith.constant 0 : index
    %get3A_3 = arith.constant 0 : index
    %get3A_4 = vector.load %arg4[%get3A_2, %get3A_3] : memref<128x128xf32, #tpu.memory_space<vmem>>, vector<128x128xf32>
    %dot_general3A = arith.constant dense<0.000000e+00> : vector<16384x128xf32>
    %dot_general3A_5 = tpu.matmul %get3A_1, %get3A_4, %dot_general3A {dimension_numbers = #tpu.dot_dimension_numbers<[1], [0], [0], [1], [0, 0, 1, 1], [], []>, transpose_lhs_hint = false} : vector<16384x128xf32>, vector<128x128xf32>, vector<16384x128xf32> -> vector<16384x128xf32>
    %get3A_6 = arith.constant 0 : index
    %get3A_7 = arith.constant 0 : index
    %get3A_8 = vector.load %arg2[%get3A_6, %get3A_7] : memref<16384x128xf32, #tpu.memory_space<vmem>>, vector<16384x128xf32>
    %get3A_9 = arith.constant 0 : index
    %get3A_10 = arith.constant 0 : index
    %get3A_11 = vector.load %arg5[%get3A_9, %get3A_10] : memref<128x128xf32, #tpu.memory_space<vmem>>, vector<128x128xf32>
    %dot_general3A_12 = arith.constant dense<0.000000e+00> : vector<16384x128xf32>
    %dot_general3A_13 = tpu.matmul %get3A_8, %get3A_11, %dot_general3A_12 {dimension_numbers = #tpu.dot_dimension_numbers<[1], [0], [0], [1], [0, 0, 1, 1], [], []>, transpose_lhs_hint = false} : vector<16384x128xf32>, vector<128x128xf32>, vector<16384x128xf32> -> vector<16384x128xf32>
    %add3A = arith.addf %dot_general3A_5, %dot_general3A_13 : vector<16384x128xf32>
    %get3A_14 = arith.constant 0 : index
    %get3A_15 = arith.constant 0 : index
    %get3A_16 = vector.load %arg3[%get3A_14, %get3A_15] : memref<16384x128xf32, #tpu.memory_space<vmem>>, vector<16384x128xf32>
    %get3A_17 = arith.constant 0 : index
    %get3A_18 = arith.constant 0 : index
    %get3A_19 = vector.load %arg6[%get3A_17, %get3A_18] : memref<128x128xf32, #tpu.memory_space<vmem>>, vector<128x128xf32>
    %dot_general3A_20 = arith.constant dense<0.000000e+00> : vector<16384x128xf32>
    %dot_general3A_21 = tpu.matmul %get3A_16, %get3A_19, %dot_general3A_20 {dimension_numbers = #tpu.dot_dimension_numbers<[1], [0], [0], [1], [0, 0, 1, 1], [], []>, transpose_lhs_hint = false} : vector<16384x128xf32>, vector<128x128xf32>, vector<16384x128xf32> -> vector<16384x128xf32>
    %add3A_22 = arith.addf %add3A, %dot_general3A_21 : vector<16384x128xf32>
    %swap3A = arith.constant 0 : index
    %swap3A_23 = arith.constant 0 : index
    %swap3A_24 = vector.load %arg8[%swap3A, %swap3A_23] : memref<16384x128xf32, #tpu.memory_space<vmem>>, vector<16384x128xf32>
    tpu.vector_store %arg8[%swap3A, %swap3A_23], %add3A_22 {strides = array<i32>} : memref<16384x128xf32, #tpu.memory_space<vmem>>, vector<16384x128xf32>,
    return
  }
  func.func @transform_0(%arg0: i32) -> (i32, i32) {
    %add3A = arith.constant 0 : i32
    %add3A_0 = arith.addi %add3A, %arg0 : i32
    %c0_i32 = arith.constant 0 : i32
    %c0_i32_1 = arith.constant 0 : i32
    return %add3A_0, %c0_i32 : i32, i32
  }
  func.func @transform_1(%arg0: i32) -> (i32, i32) {
    %add3A = arith.constant 7 : i32
    %add3A_0 = arith.addi %add3A, %arg0 : i32
    %c0_i32 = arith.constant 0 : i32
    %c0_i32_1 = arith.constant 0 : i32
    return %add3A_0, %c0_i32 : i32, i32
  }
  func.func @transform_2(%arg0: i32) -> (i32, i32) {
    %add3A = arith.constant 14 : i32
    %add3A_0 = arith.addi %add3A, %arg0 : i32
    %c0_i32 = arith.constant 0 : i32
    %c0_i32_1 = arith.constant 0 : i32
    return %add3A_0, %c0_i32 : i32, i32
  }
  func.func @transform_3(%arg0: i32) -> (i32, i32) {
    %c0_i32 = arith.constant 0 : i32
    %c0_i32_0 = arith.constant 0 : i32
    %c0_i32_1 = arith.constant 0 : i32
    return %c0_i32, %c0_i32_0 : i32, i32
  }
  func.func @transform_4(%arg0: i32) -> (i32, i32) {
    %c0_i32 = arith.constant 0 : i32
    %c0_i32_0 = arith.constant 0 : i32
    %c0_i32_1 = arith.constant 0 : i32
    return %c0_i32, %c0_i32_0 : i32, i32
  }
  func.func @transform_5(%arg0: i32) -> (i32, i32) {
    %c0_i32 = arith.constant 0 : i32
    %c0_i32_0 = arith.constant 0 : i32
    %c0_i32_1 = arith.constant 0 : i32
    return %c0_i32, %c0_i32_0 : i32, i32
  }
  func.func @transform_7(%arg0: i32) -> (i32, i32) {
    %add3A = arith.constant 7 : i32
    %add3A_0 = arith.addi %add3A, %arg0 : i32
    %c0_i32 = arith.constant 0 : i32
    %c0_i32_1 = arith.constant 0 : i32
    return %add3A_0, %c0_i32 : i32, i32
  }
}

</mosaic_0001>

<sc_bundles>
// kernel: kernel.17.cloned.1.call-start
scs
__scs_entry_jumppad:
0x0: {  	(pc) =	sbr.rel $0x88, $3  }
0x1: {  	(tag) =	ssettag $0x0;
	lr =	simm.s32 $0x1  }
0x2: {  	[smem:$0x3F9D] =	sst lr;
	_ =	strace $0xD0000000  }
0x3: {  	_ = 	snop  }
0x4: {  	_ = 	snop  }
0x5: {  	_ = 	snop  }
0x6: {  	_ = 	snop  }
0x7: {  	_ = 	snop  }
__scs_overlays_trampoline_lowered:
0x8: {  	[smem:$0x3FAC] =	sst s0  }
0x9: {  	[smem:$0x3FAD] =	sst s1  }
0xa: {  	[smem:$0x3FAE] =	sst s2  }
0xb: {  	[smem:$0x3FAF] =	sst s3  }
0xc: {  	[smem:$0x3FB0] =	sst s4  }
0xd: {  	[smem:$0x3FB1] =	sst s5  }
0xe: {  	[smem:$0x3FB2] =	sst s6  }
0xf: {  	[smem:$0x3FB3] =	sst s7  }
0x10: {  	[smem:$0x3FB4] =	sst s8  }
0x11: {  	[smem:$0x3FB5] =	sst s9;
	s0 =	simm.s32 @!p0 $0x0  }
0x12: {  	s1 =	sld [smem:$0x3F9B];
	s0 =	simm.s32 @p0 $0x1  }
0x13: {  	[smem:$0x3FB6] =	sst s0;
	s0 =	simm.s32 @!p1 $0x0  }
0x14: {  	s2 =	sld [smem:$0x3F9A];
	s0 =	simm.s32 @p1 $0x1  }
0x15: {  	[smem:$0x3FB7] =	sst s0;
	s0 =	simm.s32 @!p2 $0x0  }
0x16: {  	s3 =	sld [smem:$0x3FDB];
	s0 =	simm.s32 @p2 $0x1  }
0x17: {  	s4 =	simm.s32 $0x1BF5;
	[smem:$0x3FB9] =	sst s0  }
0x18: {  	s0 =	sld [smem:$0x3F9C];
	_ =	swait.ge [sflag:s4], $0x0  }
0x19: {  	s7 =	sld [smem:$0x3F9D]  }
0x1a: {  	s8 =	sadd.s32 $0xFFFFE003, lr  }
0x1b: {  	s9 =	sadd.s32 $0xFFFFFEF7, lr;
	s5 =	simm.s32 $0xFFFFFFFF;
	p2 =	slt.u32 s8, $0xFFFFF086  }
0x1c: {  	p1 =	slt.u32 s9, $0xF7A;
	s5 =	simm.s32 @!p2 $0x0  }
0x1d: {  	s5 =	simm.s32 @p1 $0x1;
	p0 =	seq.s32 s7, s2  }
0x1e: {  	s7 =	smul.u32 @!p0 $0xF7A, s2;
	p2 =	seq.s32 @!p0 s5, $0x0  }
0x1f: {  	s9 =	smul.u32 $0xF7A, s1;
	s8 =	simm.s32 @!p0 $0x1BF5;
	p2 =	por !p2, p0  }
0x20: {  	[sflag:s8] =	ssyncset.s32 @!p0 $0xFFFFF086;
	s6 =	sadd.s32 @!p0 s3, s7;
	s7 =	simm.s32 @!p0 $0x108  }
0x21: {  	s3 =	sadd.s32 s3, s9;
	s6 =	sadd.s32 @!p0 $0x88, s6;
	s7 =	simm.s32 @p2 $0x1082  }
0x22: {  	[simem:s7], [sflag:s8] =	dma.local @!p0 [hbm:s6], $0xF7A  }
0x23: {  	s9 =	sor.u32 $0xD0000000, s2;
	s6 =	simm.s32 $0x108;
	_ =	swait.ge @!p0 [sflag:s8], $0x0  }
0x24: {  	s3 =	sadd.s32 $0x88, s3;
	s6 =	simm.s32 @!p1 $0x1082;
	[sflag:s4] =	ssyncset.s32 $0xFFFFF086  }
0x25: {  	[simem:s6], [sflag:s4] =	dma.local [hbm:s3], $0xF7A  }
0x26: {  	[smem:$0x3F9D] =	sst s1;
	(tag) =	ssettag s2;
	_ =	strace s9  }
0x27: {  	s1 =	sld [smem:$0x3FAD]  }
0x28: {  	s2 =	sld [smem:$0x3FAE]  }
0x29: {  	s4 =	sld [smem:$0x3FB0]  }
0x2a: {  	p0 =	seq.s32 s5, $0x0;
	s5 =	sld [smem:$0x3FB1]  }
0x2b: {  	s6 =	sld [smem:$0x3FB2]  }
0x2c: {  	s7 =	sld [smem:$0x3FB3]  }
0x2d: {  	s3 =	simm.s32 $0x108;
	s8 =	sld [smem:$0x3FB4]  }
0x2e: {  	s3 =	simm.s32 @!p0 $0x1082;
	s9 =	sld [smem:$0x3FB5]  }
0x2f: {  	lr =	sadd.s32 s0, s3;
	s0 =	sld [smem:$0x3FAC]  }
0x30: {  	s3 =	sld [smem:$0x3FAF]  }
0x31: {  	[smem:$0x3FB8] =	sst s10  }
0x32: {  	s10 =	sld [smem:$0x3FB6];
	_ =	sdelay $0x3  }
0x33: {  	p0 =	seq.s32 s10, $0x1;
	s10 =	sld [smem:$0x3FB8];
	_ =	sdelay $0x3  }
0x34: {  	[smem:$0x3FB8] =	sst s10  }
0x35: {  	s10 =	sld [smem:$0x3FB7];
	_ =	sdelay $0x3  }
0x36: {  	p1 =	seq.s32 s10, $0x1;
	s10 =	sld [smem:$0x3FB8];
	_ =	sdelay $0x3  }
0x37: {  	[smem:$0x3FB8] =	sst s10  }
0x38: {  	s10 =	sld [smem:$0x3FB9]  }
0x39: {  	_ = 	snop;
	(pc) =	sbr.ind lr, $3  }
0x3a: {  	_ = 	snop  }
0x3b: {  	_ = 	snop  }
0x3c: {  	p2 =	seq.s32 s10, $0x1;
	s10 =	sld [smem:$0x3FB8]  }
0x3d: {  	_ =	shalt  }
0x3e: {  	_ =	shalt  }
0x3f: {  	_ =	shalt  }
0x40: {  	_ =	shalt  }
0x41: {  	_ =	shalt  }
0x42: {  	_ =	shalt  }
0x43: {  	_ =	shalt  }
0x44: {  	_ =	shalt  }
0x45: {  	_ =	shalt  }
0x46: {  	_ =	shalt  }
0x47: {  	_ =	shalt  }
0x48: {  	_ =	shalt  }
0x49: {  	_ =	shalt  }
0x4a: {  	_ =	shalt  }
0x4b: {  	_ =	shalt  }
0x4c: {  	_ =	shalt  }
0x4d: {  	_ =	shalt  }
0x4e: {  	_ =	shalt  }
0x4f: {  	_ =	shalt  }
0x50: {  	_ =	shalt  }
0x51: {  	_ =	shalt  }
0x52: {  	_ =	shalt  }
0x53: {  	_ =	shalt  }
0x54: {  	_ =	shalt  }
0x55: {  	_ =	shalt  }
0x56: {  	_ =	shalt  }
0x57: {  	_ =	shalt  }
0x58: {  	_ =	shalt  }
0x59: {  	_ =	shalt  }
0x5a: {  	_ =	shalt  }
0x5b: {  	_ =	shalt  }
0x5c: {  	_ =	shalt  }
0x5d: {  	_ =	shalt  }
0x5e: {  	_ =	shalt  }
0x5f: {  	_ =	shalt  }
0x60: {  	_ =	shalt  }
0x61: {  	_ =	shalt  }
0x62: {  	_ =	shalt  }
0x63: {  	_ =	shalt  }
0x64: {  	_ =	shalt  }
0x65: {  	_ =	shalt  }
0x66: {  	_ =	shalt  }
0x67: {  	_ =	shalt  }
0x68: {  	_ =	shalt  }
0x69: {  	_ =	shalt  }
0x6a: {  	_ =	shalt  }
0x6b: {  	_ =	shalt  }
0x6c: {  	_ =	shalt  }
0x6d: {  	_ =	shalt  }
0x6e: {  	_ =	shalt  }
0x6f: {  	_ =	shalt  }
0x70: {  	_ =	shalt  }
0x71: {  	_ =	shalt  }
0x72: {  	_ =	shalt  }
0x73: {  	_ =	shalt  }
0x74: {  	_ =	shalt  }
0x75: {  	_ =	shalt  }
0x76: {  	_ =	shalt  }
0x77: {  	_ =	shalt  }
0x78: {  	_ =	shalt  }
0x79: {  	_ =	shalt  }
0x7a: {  	_ =	shalt  }
0x7b: {  	_ =	shalt  }
0x7c: {  	_ =	shalt  }
0x7d: {  	_ =	shalt  }
0x7e: {  	_ =	shalt  }
0x7f: {  	_ =	shalt  }
0x80: {  	_ =	shalt  }
0x81: {  	_ =	shalt  }
0x82: {  	_ =	shalt  }
0x83: {  	_ =	shalt  }
0x84: {  	_ =	shalt  }
0x85: {  	_ =	shalt  }
0x86: {  	_ =	shalt  }
0x87: {  	_ =	shalt  }
.Lfunc_end0:
.L_simem_size_0:
called_computation_lowered:
.L_overlay_start_0:
0x88: {  	s2 =	sld [smem:$0x3FD9]  }
0x89: {  	s3 =	sld [smem:$0x3FFE];
	_ =	sdelay $0x1  }
0x8a: {  	s1 =	srdreg.scid  }
0x8b: {  	s0 =	sand.u32 $0x1, s1  }
0x8c: {  	s17 =	sshll.u32 s0, $0xA;
	s2 =	sadd.s32 s3, s2  }
0x8d: {  	s2 =	sadd.s32 s2, s17  }
0x8e: {  	[smem:$0x3FC4] =	sst s2  }
0x8f: {  	_ = 	snop  }
0x90: {  	s2 =	sld [smem:$0x3FD0];
	(tm) =	ssettm $0x1  }
0x91: {  	s18 =	sld [smem:$0x3FFB];
	_ =	sdelay $0x3  }
0x92: {  	_ =	strace s18  }
0x93: {  	s3 =	sld [smem:$0x3FFC];
	_ =	sdelay $0x3  }
0x94: {  	_ =	strace s3  }
0x95: {  	s3 =	sld [smem:$0x3FFD];
	_ =	sdelay $0x3  }
0x96: {  	_ =	strace s3  }
0x97: {  	_ =	strace $0x8FFFFFFF  }
0x98: {  	s19 =	sld [smem:$0x3FDB];
	_ =	sdelay $0x1  }
0x99: {  	s4 =	simm.s32 $_scs_section_size  }
0x9a: {  	s5 =	simm.s32 $_size__tile_overlayer_lowered;
	s6 =	simm.s32 $_tile_overlayer_lowered  }
0x9b: {  	s22 =	simm.s32 $0x1BFF;
	s21 =	sshll.u32 s6, $0x1;
	s3 =	sadd.s32 s4, s19  }
0x9c: {  	s7 =	simm.s32 $0x0;
	s20 =	sshll.u32 s5, $0x1;
	s5 =	sadd.s32 s21, s3  }
0x9d: {  	[timem:s7], [sflag:s22] =	dma.local [hbm:s5], s20  }
0x9e: {  	_ =	swait.ge [sflag:s22], s20  }
0x9f: {  	s4 =	ssub.s32 $0x0, s20;
	[sflag:s22] =	ssyncset.done $0x0  }
0xa0: {  	[sflag:s22] =	ssyncadd.s32 s4;
	_ =	sdelay $0x1  }
0xa1: {  	s23 =	simm.s32 $0x1B8B  }
0xa2: {  	_ =	swait.ge [sflag:s23], $0x1  }
0xa3: {  	[sflag:s23] =	ssyncset.done $0x0  }
0xa4: {  	s25 =	simm.s32 $0x1B8E;
	s24 =	sld [smem:$0x3FFE];
	[sflag:s23] =	ssyncadd.s32 $0xFFFFFFFF  }
0xa5: {  	s26 =	simm.s32 $execute0_lowered;
	[smem:$0x3FD2] =	sst s25  }
0xa6: {  	s5 =	sshll.u32 s26, $0x1;
	_ =	strace $0x80000046;
	[dreg:$0x1] =	wrdreg $0xFFFFFFFF  }
0xa7: {  	s28 =	simm.s32 $_size_execute0_lowered;
	s3 =	sadd.s32 s3, s5;
	[dreg:$0x0] =	wrdreg $0x0  }
0xa8: {  	s5 =	sshll.u32 s28, $0x1;
	[dreg:$0x2] =	wrdreg s3  }
0xa9: {  	[dreg:$0x3] =	wrdreg s5  }
0xaa: {  	[dreg:$0x4] =	wrdreg $0xC0  }
0xab: {  	_ =	task [dreg:s7], $0x5FFFF  }
0xac: {  	[dreg:$0x1] =	wrdreg $0xFFFFFFFF  }
0xad: {  	[dreg:$0x0] =	wrdreg $0x60  }
0xae: {  	[dreg:$0x2] =	wrdreg s2  }
0xaf: {  	[dreg:$0x3] =	wrdreg s24  }
0xb0: {  	[dreg:$0x4] =	wrdreg $0x9  }
0xb1: {  	_ =	task.clear_ibuf [dreg:s7], $0x5FFFF;
	_ =	strace $0x90000046  }
0xb2: {  	s29 =	simm.s32 $0x9;
	_ =	strace $0x80000048  }
0xb3: {  	_ =	swait.ge [sflag:s29], $0x1  }
0xb4: {  	[sflag:s29] =	ssyncadd.s32 $0xFFFFFFFF  }
0xb5: {  	_ =	strace $0x90000048  }
0xb6: {  	_ =	sfence  }
0xb7: {  	s30 =	sld [smem:$0x0];
	_ =	sdelay $0x2  }
0xb8: {  	s31 =	sshll.u32 s1, $0xD;
	s1 =	sshrl.u32 s1, $0x2  }
0xb9: {  	s3 =	sand.u32 $0x4000, s31;
	s1 =	sadd.s32 s1, s30  }
0xba: {  	s0 =	sor.u32 s3, s0;
	s1 =	sshll.u32 s1, $0x11  }
0xbb: {  	s0 =	sor.u32 s1, s0  }
0xbc: {  	s0 =	sadd.s32 $0x8F2B, s0  }
0xbd: {  	[sflag:s0] =	ssyncadd.remote.s32 $0x1  }
0xbe: {  	_ =	sfence.sel $0xFFFF  }
0xbf: {  	[dreg:$0x0] =	wrdreg $0xFFFFFFFF;
	(pc) =	sbr.abs _section_cstart, $3  }
0xc0: {  	[dreg:$0x1] =	wrdreg $0xFFFFFFFF  }
0xc1: {  	_ =	task.clear_ibuf [dreg:s7], $0x2FFFF;
	_ =	strace $0x9FFFFFFF  }
0xc2: {  	(tm) =	ssettm $0x7FFFFFFF  }
0xc3: {  	_ =	shalt  }
tec
execute0_lowered:
.L_overlay_start_1:
0x0: {  	(tag) =	ssettag $0x1  }
0x1: {  	s1 =	srdreg.scid  }
0x2: {  	s0 =	stileid.u32;
	s6 =	sand.u32 $0x1, s1  }
0x3: {  	s2 =	rddreg [dreg:$0x0];
	s30 =	sshll.u32 s0, $0xA;
	s3 =	sshll.u32 s6, $0x9  }
0x4: {  	s8 =	rddreg [dreg:$0x1];
	s7 =	simm.s32 $0x1;
	s9 =	sor.u32 s3, s30  }
0x5: {  	s1 =	rddreg [dreg:$0x2];
	s3 =	simm.s32 $0x0;
	s4 =	sshrl.u32 s9, $0x3  }
0x6: {  	s10 =	ssub.s32 $0x2, s6;
	[smem:$0x7FF] =	sst s3;
	s4 =	sadd.s32 s4, s8  }
0x7: {  	_ =	strace $0x80000047;
	s5 =	sadd.s32 $0x7000, s4;
	s4 =	simm.s32 $0x2  }
0x8: {  	[tilespmem:s3], [sflag:$0x2] =	stream.linear.gather [hbm4b:s5+s3], $0x200, $0x38;
	[tilespmem:$0x10200] =	vst v63  }
0x9: {  	s6 =	simm.s32 $0x200;
	s11 =	sshrl.u32 s10, $0x1;
	_ =	swait.ge [sflag:s4], $0x200  }
0xa: {  	s9 =	sshll.u32 s9, $0x4;
	s31 =	ssub.s32 s10, s11;
	[sflag:s4] =	ssyncset.done $0x0  }
0xb: {  	s8 =	sadd.s32 s9, s8;
	s9 =	smax.u32 s31, $0x1;
	[sflag:s4] =	ssyncadd.s32 $0xFFFFFE00  }
0xc: {  	[tilespmem:s6], [sflag:$0x1] =	stream.indirect.gather [hbm4b:s2+s6], $0x80, s3, s6, $0xb8;
	[tilespmem:$0x10200] =	vst v63  }
0xd: {  	p0 =	sne.s32 s9, $0x1;
	_ =	swait.ge [sflag:s7], $0x10000  }
.Ltmp0:
0xe: {  	[sflag:s7] =	ssyncset.done $0x0;
	(pc) =	sbr.rel @!p0 .LBB2_2-.Ltmp0, $4  }
0xf: {  	s8 =	sadd.s32 $0x7800, s8;
	[sflag:s7] =	ssyncadd.s32 $0xFFFF0000  }
0x10: {  	[hbm4b:s8+s3] =	stream.linear.scatter [tilespmem:s6], [sflag:$0x2], $0x10000, $0x38;
	[tilespmem:$0x10200] =	vst v63  }
0x11: {  	_ =	swait.ge [sflag:s4], $0x10000  }
0x12: {  	s9 =	sadd.s32 $0xFFFFFFFF, s9;
	[sflag:s4] =	ssyncset.done $0x0  }
.LBB2_1:
0x13: {  	p0 =	sne.s32 s9, $0x1;
	s9 =	sadd.s32 $0xFFFFFFFF, s9;
	[sflag:s4] =	ssyncadd.s32 $0xFFFF0000  }
0x14: {  	[tilespmem:s3], [sflag:$0x2] =	stream.linear.gather [hbm4b:s5+s3], $0x200, $0x38;
	[tilespmem:$0x10200] =	vst v63  }
0x15: {  	_ =	swait.ge [sflag:s4], $0x200  }
0x16: {  	[sflag:s4] =	ssyncset.done $0x0  }
0x17: {  	[sflag:s4] =	ssyncadd.s32 $0xFFFFFE00  }
0x18: {  	[tilespmem:s6], [sflag:$0x1] =	stream.indirect.gather [hbm4b:s2+s6], $0x80, s3, s6, $0xb8;
	[tilespmem:$0x10200] =	vst v63  }
0x19: {  	_ =	swait.ge [sflag:s7], $0x10000  }
.Ltmp1:
0x1a: {  	[sflag:s7] =	ssyncset.done $0x0;
	(pc) =	sbr.rel @p0 .LBB2_1-.Ltmp1, $4  }
0x1b: {  	[sflag:s7] =	ssyncadd.s32 $0xFFFF0000  }
0x1c: {  	[hbm4b:s8+s3] =	stream.linear.scatter [tilespmem:s6], [sflag:$0x2], $0x10000, $0x38;
	[tilespmem:$0x10200] =	vst v63  }
0x1d: {  	_ =	swait.ge [sflag:s4], $0x10000  }
0x1e: {  	[sflag:s4] =	ssyncset.done $0x0  }
.LBB2_2:
0x1f: {  	[sflag:s4] =	ssyncadd.s32 $0xFFFF0000  }
0x20: {  	_ =	sfence.sel $0x180000  }
0x21: {  	[bflag:$0x0] =	sbarrier.arrive $0xFFFF  }
0x22: {  	p0 =	sne.s32 s0, $0x0;
	_ =	strace $0x90000047  }
0x23: {  	s0 =	sadd.s32 @!p0 $0x100000, s1;
	[bflag:$0x2] =	sbarrier.arrive $0xFFFF  }
0x24: {  	[sflag:s0] =	ssyncadd.tile.s32 @!p0 $0x1;
	_ =	shalt  }
.Lfunc_end2:
_tile_overlayer_lowered:
.L_overlay_start_2:
0x25: {  	(tag) =	ssettag $0x2  }
0x26: {  	s0 =	rddreg [dreg:$0x0];
	s2 =	stileid.u32  }
0x27: {  	s1 =	rddreg [dreg:$0x1];
	p0 =	sne.s32 s2, $0x0  }
0x28: {  	s3 =	rddreg [dreg:$0x2];
	[bflag:$0x3] =	sbarrier.arrive $0xFFFF;
	s2 =	simm.s32 @!p0 $0x1C02  }
0x29: {  	[timem:s3], [sflag:s2] =	dma.local @!p0 [hbm:s0], s1  }
0x2a: {  	s0 =	simm.s32 @!p0 $0x2  }
0x2b: {  	_ =	swait.ge @!p0 [sflag:s0], s1  }
0x2c: {  	s1 =	ssub.s32 @!p0 $0x0, s1;
	[sflag:s0] =	ssyncset.done @!p0 $0x0  }
0x2d: {  	[sflag:s0] =	ssyncadd.s32 @!p0 s1  }
0x2e: {  	[bflag:$0x3] =	sbarrier.arrive $0xFFFF  }
0x2f: {  	_ =	shalt  }

// kernel: kernel.20.cloned.1.call-start
scs
__scs_entry_jumppad:
0x0: {  	(pc) =	sbr.rel $0x88, $3  }
0x1: {  	(tag) =	ssettag $0x0;
	lr =	simm.s32 $0x1  }
0x2: {  	[smem:$0x3F9D] =	sst lr;
	_ =	strace $0xD0000000  }
0x3: {  	_ = 	snop  }
0x4: {  	_ = 	snop  }
0x5: {  	_ = 	snop  }
0x6: {  	_ = 	snop  }
0x7: {  	_ = 	snop  }
__scs_overlays_trampoline_lowered:
0x8: {  	[smem:$0x3FAC] =	sst s0  }
0x9: {  	[smem:$0x3FAD] =	sst s1  }
0xa: {  	[smem:$0x3FAE] =	sst s2  }
0xb: {  	[smem:$0x3FAF] =	sst s3  }
0xc: {  	[smem:$0x3FB0] =	sst s4  }
0xd: {  	[smem:$0x3FB1] =	sst s5  }
0xe: {  	[smem:$0x3FB2] =	sst s6  }
0xf: {  	[smem:$0x3FB3] =	sst s7  }
0x10: {  	[smem:$0x3FB4] =	sst s8  }
0x11: {  	[smem:$0x3FB5] =	sst s9;
	s0 =	simm.s32 @!p0 $0x0  }
0x12: {  	s1 =	sld [smem:$0x3F9B];
	s0 =	simm.s32 @p0 $0x1  }
0x13: {  	[smem:$0x3FB6] =	sst s0;
	s0 =	simm.s32 @!p1 $0x0  }
0x14: {  	s2 =	sld [smem:$0x3F9A];
	s0 =	simm.s32 @p1 $0x1  }
0x15: {  	[smem:$0x3FB7] =	sst s0;
	s0 =	simm.s32 @!p2 $0x0  }
0x16: {  	s3 =	sld [smem:$0x3FDB];
	s0 =	simm.s32 @p2 $0x1  }
0x17: {  	s4 =	simm.s32 $0x1BF5;
	[smem:$0x3FB9] =	sst s0  }
0x18: {  	s0 =	sld [smem:$0x3F9C];
	_ =	swait.ge [sflag:s4], $0x0  }
0x19: {  	s7 =	sld [smem:$0x3F9D]  }
0x1a: {  	s8 =	sadd.s32 $0xFFFFE003, lr  }
0x1b: {  	s9 =	sadd.s32 $0xFFFFFEF7, lr;
	s5 =	simm.s32 $0xFFFFFFFF;
	p2 =	slt.u32 s8, $0xFFFFF086  }
0x1c: {  	p1 =	slt.u32 s9, $0xF7A;
	s5 =	simm.s32 @!p2 $0x0  }
0x1d: {  	s5 =	simm.s32 @p1 $0x1;
	p0 =	seq.s32 s7, s2  }
0x1e: {  	s7 =	smul.u32 @!p0 $0xF7A, s2;
	p2 =	seq.s32 @!p0 s5, $0x0  }
0x1f: {  	s9 =	smul.u32 $0xF7A, s1;
	s8 =	simm.s32 @!p0 $0x1BF5;
	p2 =	por !p2, p0  }
0x20: {  	[sflag:s8] =	ssyncset.s32 @!p0 $0xFFFFF086;
	s6 =	sadd.s32 @!p0 s3, s7;
	s7 =	simm.s32 @!p0 $0x108  }
0x21: {  	s3 =	sadd.s32 s3, s9;
	s6 =	sadd.s32 @!p0 $0x88, s6;
	s7 =	simm.s32 @p2 $0x1082  }
0x22: {  	[simem:s7], [sflag:s8] =	dma.local @!p0 [hbm:s6], $0xF7A  }
0x23: {  	s9 =	sor.u32 $0xD0000000, s2;
	s6 =	simm.s32 $0x108;
	_ =	swait.ge @!p0 [sflag:s8], $0x0  }
0x24: {  	s3 =	sadd.s32 $0x88, s3;
	s6 =	simm.s32 @!p1 $0x1082;
	[sflag:s4] =	ssyncset.s32 $0xFFFFF086  }
0x25: {  	[simem:s6], [sflag:s4] =	dma.local [hbm:s3], $0xF7A  }
0x26: {  	[smem:$0x3F9D] =	sst s1;
	(tag) =	ssettag s2;
	_ =	strace s9  }
0x27: {  	s1 =	sld [smem:$0x3FAD]  }
0x28: {  	s2 =	sld [smem:$0x3FAE]  }
0x29: {  	s4 =	sld [smem:$0x3FB0]  }
0x2a: {  	p0 =	seq.s32 s5, $0x0;
	s5 =	sld [smem:$0x3FB1]  }
0x2b: {  	s6 =	sld [smem:$0x3FB2]  }
0x2c: {  	s7 =	sld [smem:$0x3FB3]  }
0x2d: {  	s3 =	simm.s32 $0x108;
	s8 =	sld [smem:$0x3FB4]  }
0x2e: {  	s3 =	simm.s32 @!p0 $0x1082;
	s9 =	sld [smem:$0x3FB5]  }
0x2f: {  	lr =	sadd.s32 s0, s3;
	s0 =	sld [smem:$0x3FAC]  }
0x30: {  	s3 =	sld [smem:$0x3FAF]  }
0x31: {  	[smem:$0x3FB8] =	sst s10  }
0x32: {  	s10 =	sld [smem:$0x3FB6];
	_ =	sdelay $0x3  }
0x33: {  	p0 =	seq.s32 s10, $0x1;
	s10 =	sld [smem:$0x3FB8];
	_ =	sdelay $0x3  }
0x34: {  	[smem:$0x3FB8] =	sst s10  }
0x35: {  	s10 =	sld [smem:$0x3FB7];
	_ =	sdelay $0x3  }
0x36: {  	p1 =	seq.s32 s10, $0x1;
	s10 =	sld [smem:$0x3FB8];
	_ =	sdelay $0x3  }
0x37: {  	[smem:$0x3FB8] =	sst s10  }
0x38: {  	s10 =	sld [smem:$0x3FB9]  }
0x39: {  	_ = 	snop;
	(pc) =	sbr.ind lr, $3  }
0x3a: {  	_ = 	snop  }
0x3b: {  	_ = 	snop  }
0x3c: {  	p2 =	seq.s32 s10, $0x1;
	s10 =	sld [smem:$0x3FB8]  }
0x3d: {  	_ =	shalt  }
0x3e: {  	_ =	shalt  }
0x3f: {  	_ =	shalt  }
0x40: {  	_ =	shalt  }
0x41: {  	_ =	shalt  }
0x42: {  	_ =	shalt  }
0x43: {  	_ =	shalt  }
0x44: {  	_ =	shalt  }
0x45: {  	_ =	shalt  }
0x46: {  	_ =	shalt  }
0x47: {  	_ =	shalt  }
0x48: {  	_ =	shalt  }
0x49: {  	_ =	shalt  }
0x4a: {  	_ =	shalt  }
0x4b: {  	_ =	shalt  }
0x4c: {  	_ =	shalt  }
0x4d: {  	_ =	shalt  }
0x4e: {  	_ =	shalt  }
0x4f: {  	_ =	shalt  }
0x50: {  	_ =	shalt  }
0x51: {  	_ =	shalt  }
0x52: {  	_ =	shalt  }
0x53: {  	_ =	shalt  }
0x54: {  	_ =	shalt  }
0x55: {  	_ =	shalt  }
0x56: {  	_ =	shalt  }
0x57: {  	_ =	shalt  }
0x58: {  	_ =	shalt  }
0x59: {  	_ =	shalt  }
0x5a: {  	_ =	shalt  }
0x5b: {  	_ =	shalt  }
0x5c: {  	_ =	shalt  }
0x5d: {  	_ =	shalt  }
0x5e: {  	_ =	shalt  }
0x5f: {  	_ =	shalt  }
0x60: {  	_ =	shalt  }
0x61: {  	_ =	shalt  }
0x62: {  	_ =	shalt  }
0x63: {  	_ =	shalt  }
0x64: {  	_ =	shalt  }
0x65: {  	_ =	shalt  }
0x66: {  	_ =	shalt  }
0x67: {  	_ =	shalt  }
0x68: {  	_ =	shalt  }
0x69: {  	_ =	shalt  }
0x6a: {  	_ =	shalt  }
0x6b: {  	_ =	shalt  }
0x6c: {  	_ =	shalt  }
0x6d: {  	_ =	shalt  }
0x6e: {  	_ =	shalt  }
0x6f: {  	_ =	shalt  }
0x70: {  	_ =	shalt  }
0x71: {  	_ =	shalt  }
0x72: {  	_ =	shalt  }
0x73: {  	_ =	shalt  }
0x74: {  	_ =	shalt  }
0x75: {  	_ =	shalt  }
0x76: {  	_ =	shalt  }
0x77: {  	_ =	shalt  }
0x78: {  	_ =	shalt  }
0x79: {  	_ =	shalt  }
0x7a: {  	_ =	shalt  }
0x7b: {  	_ =	shalt  }
0x7c: {  	_ =	shalt  }
0x7d: {  	_ =	shalt  }
0x7e: {  	_ =	shalt  }
0x7f: {  	_ =	shalt  }
0x80: {  	_ =	shalt  }
0x81: {  	_ =	shalt  }
0x82: {  	_ =	shalt  }
0x83: {  	_ =	shalt  }
0x84: {  	_ =	shalt  }
0x85: {  	_ =	shalt  }
0x86: {  	_ =	shalt  }
0x87: {  	_ =	shalt  }
.Lfunc_end0:
.L_simem_size_0:
called_computation.1_lowered:
.L_overlay_start_0:
0x88: {  	s2 =	sld [smem:$0x3FD9]  }
0x89: {  	s3 =	sld [smem:$0x3FFE];
	_ =	sdelay $0x1  }
0x8a: {  	s1 =	srdreg.scid  }
0x8b: {  	s0 =	sand.u32 $0x1, s1  }
0x8c: {  	s17 =	sshll.u32 s0, $0xA;
	s2 =	sadd.s32 s3, s2  }
0x8d: {  	s2 =	sadd.s32 s2, s17  }
0x8e: {  	[smem:$0x3FC4] =	sst s2  }
0x8f: {  	_ = 	snop  }
0x90: {  	s2 =	sld [smem:$0x3FD0];
	(tm) =	ssettm $0x1  }
0x91: {  	s18 =	sld [smem:$0x3FFB];
	_ =	sdelay $0x3  }
0x92: {  	_ =	strace s18  }
0x93: {  	s3 =	sld [smem:$0x3FFC];
	_ =	sdelay $0x3  }
0x94: {  	_ =	strace s3  }
0x95: {  	s3 =	sld [smem:$0x3FFD];
	_ =	sdelay $0x3  }
0x96: {  	_ =	strace s3  }
0x97: {  	_ =	strace $0x8FFFFFFF  }
0x98: {  	s19 =	sld [smem:$0x3FDB];
	_ =	sdelay $0x1  }
0x99: {  	s4 =	simm.s32 $_scs_section_size  }
0x9a: {  	s5 =	simm.s32 $_size__tile_overlayer_lowered;
	s6 =	simm.s32 $_tile_overlayer_lowered  }
0x9b: {  	s22 =	simm.s32 $0x1BFF;
	s21 =	sshll.u32 s6, $0x1;
	s3 =	sadd.s32 s4, s19  }
0x9c: {  	s7 =	simm.s32 $0x0;
	s20 =	sshll.u32 s5, $0x1;
	s5 =	sadd.s32 s21, s3  }
0x9d: {  	[timem:s7], [sflag:s22] =	dma.local [hbm:s5], s20  }
0x9e: {  	_ =	swait.ge [sflag:s22], s20  }
0x9f: {  	s4 =	ssub.s32 $0x0, s20;
	[sflag:s22] =	ssyncset.done $0x0  }
0xa0: {  	[sflag:s22] =	ssyncadd.s32 s4;
	_ =	sdelay $0x1  }
0xa1: {  	s23 =	simm.s32 $0x1B8B  }
0xa2: {  	_ =	swait.ge [sflag:s23], $0x1  }
0xa3: {  	[sflag:s23] =	ssyncset.done $0x0  }
0xa4: {  	s25 =	simm.s32 $0x1B8E;
	s24 =	sld [smem:$0x3FFE];
	[sflag:s23] =	ssyncadd.s32 $0xFFFFFFFF  }
0xa5: {  	s26 =	simm.s32 $execute0_lowered;
	[smem:$0x3FD2] =	sst s25  }
0xa6: {  	s5 =	sshll.u32 s26, $0x1;
	_ =	strace $0x80000049;
	[dreg:$0x1] =	wrdreg $0xFFFFFFFF  }
0xa7: {  	s28 =	simm.s32 $_size_execute0_lowered;
	s3 =	sadd.s32 s3, s5;
	[dreg:$0x0] =	wrdreg $0x0  }
0xa8: {  	s5 =	sshll.u32 s28, $0x1;
	[dreg:$0x2] =	wrdreg s3  }
0xa9: {  	[dreg:$0x3] =	wrdreg s5  }
0xaa: {  	[dreg:$0x4] =	wrdreg $0xC0  }
0xab: {  	_ =	task [dreg:s7], $0x5FFFF  }
0xac: {  	[dreg:$0x1] =	wrdreg $0xFFFFFFFF  }
0xad: {  	[dreg:$0x0] =	wrdreg $0x60  }
0xae: {  	[dreg:$0x2] =	wrdreg s2  }
0xaf: {  	[dreg:$0x3] =	wrdreg s24  }
0xb0: {  	[dreg:$0x4] =	wrdreg $0x9  }
0xb1: {  	_ =	task.clear_ibuf [dreg:s7], $0x5FFFF;
	_ =	strace $0x90000049  }
0xb2: {  	s29 =	simm.s32 $0x9;
	_ =	strace $0x8000004B  }
0xb3: {  	_ =	swait.ge [sflag:s29], $0x1  }
0xb4: {  	[sflag:s29] =	ssyncadd.s32 $0xFFFFFFFF  }
0xb5: {  	_ =	strace $0x9000004B  }
0xb6: {  	_ =	sfence  }
0xb7: {  	s30 =	sld [smem:$0x0];
	_ =	sdelay $0x2  }
0xb8: {  	s31 =	sshll.u32 s1, $0xD;
	s1 =	sshrl.u32 s1, $0x2  }
0xb9: {  	s3 =	sand.u32 $0x4000, s31;
	s1 =	sadd.s32 s1, s30  }
0xba: {  	s0 =	sor.u32 s3, s0;
	s1 =	sshll.u32 s1, $0x11  }
0xbb: {  	s0 =	sor.u32 s1, s0  }
0xbc: {  	s0 =	sadd.s32 $0x8F2B, s0  }
0xbd: {  	[sflag:s0] =	ssyncadd.remote.s32 $0x1  }
0xbe: {  	_ =	sfence.sel $0xFFFF  }
0xbf: {  	[dreg:$0x0] =	wrdreg $0xFFFFFFFF;
	(pc) =	sbr.abs _section_cstart, $3  }
0xc0: {  	[dreg:$0x1] =	wrdreg $0xFFFFFFFF  }
0xc1: {  	_ =	task.clear_ibuf [dreg:s7], $0x2FFFF;
	_ =	strace $0x9FFFFFFF  }
0xc2: {  	(tm) =	ssettm $0x7FFFFFFF  }
0xc3: {  	_ =	shalt  }
tec
execute0_lowered:
.L_overlay_start_1:
0x0: {  	(tag) =	ssettag $0x1  }
0x1: {  	s1 =	srdreg.scid  }
0x2: {  	s0 =	stileid.u32;
	s6 =	sand.u32 $0x1, s1  }
0x3: {  	s2 =	rddreg [dreg:$0x0];
	s30 =	sshll.u32 s0, $0xA;
	s3 =	sshll.u32 s6, $0x9  }
0x4: {  	s8 =	rddreg [dreg:$0x1];
	s7 =	simm.s32 $0x1;
	s9 =	sor.u32 s3, s30  }
0x5: {  	s1 =	rddreg [dreg:$0x2];
	s3 =	simm.s32 $0x0;
	s4 =	sshrl.u32 s9, $0x3  }
0x6: {  	s10 =	ssub.s32 $0x2, s6;
	[smem:$0x7FF] =	sst s3;
	s4 =	sadd.s32 s4, s8  }
0x7: {  	_ =	strace $0x8000004A;
	s5 =	sadd.s32 $0x3800, s4;
	s4 =	simm.s32 $0x2  }
0x8: {  	[tilespmem:s3], [sflag:$0x2] =	stream.linear.gather [hbm4b:s5+s3], $0x200, $0x38;
	[tilespmem:$0x10200] =	vst v63  }
0x9: {  	s6 =	simm.s32 $0x200;
	s11 =	sshrl.u32 s10, $0x1;
	_ =	swait.ge [sflag:s4], $0x200  }
0xa: {  	s9 =	sshll.u32 s9, $0x4;
	s31 =	ssub.s32 s10, s11;
	[sflag:s4] =	ssyncset.done $0x0  }
0xb: {  	s8 =	sadd.s32 s9, s8;
	s9 =	smax.u32 s31, $0x1;
	[sflag:s4] =	ssyncadd.s32 $0xFFFFFE00  }
0xc: {  	[tilespmem:s6], [sflag:$0x1] =	stream.indirect.gather [hbm4b:s2+s6], $0x80, s3, s6, $0xb8;
	[tilespmem:$0x10200] =	vst v63  }
0xd: {  	p0 =	sne.s32 s9, $0x1;
	_ =	swait.ge [sflag:s7], $0x10000  }
.Ltmp0:
0xe: {  	[sflag:s7] =	ssyncset.done $0x0;
	(pc) =	sbr.rel @!p0 .LBB2_2-.Ltmp0, $4  }
0xf: {  	s8 =	sadd.s32 $0x6800, s8;
	[sflag:s7] =	ssyncadd.s32 $0xFFFF0000  }
0x10: {  	[hbm4b:s8+s3] =	stream.linear.scatter [tilespmem:s6], [sflag:$0x2], $0x10000, $0x38;
	[tilespmem:$0x10200] =	vst v63  }
0x11: {  	_ =	swait.ge [sflag:s4], $0x10000  }
0x12: {  	s9 =	sadd.s32 $0xFFFFFFFF, s9;
	[sflag:s4] =	ssyncset.done $0x0  }
.LBB2_1:
0x13: {  	p0 =	sne.s32 s9, $0x1;
	s9 =	sadd.s32 $0xFFFFFFFF, s9;
	[sflag:s4] =	ssyncadd.s32 $0xFFFF0000  }
0x14: {  	[tilespmem:s3], [sflag:$0x2] =	stream.linear.gather [hbm4b:s5+s3], $0x200, $0x38;
	[tilespmem:$0x10200] =	vst v63  }
0x15: {  	_ =	swait.ge [sflag:s4], $0x200  }
0x16: {  	[sflag:s4] =	ssyncset.done $0x0  }
0x17: {  	[sflag:s4] =	ssyncadd.s32 $0xFFFFFE00  }
0x18: {  	[tilespmem:s6], [sflag:$0x1] =	stream.indirect.gather [hbm4b:s2+s6], $0x80, s3, s6, $0xb8;
	[tilespmem:$0x10200] =	vst v63  }
0x19: {  	_ =	swait.ge [sflag:s7], $0x10000  }
.Ltmp1:
0x1a: {  	[sflag:s7] =	ssyncset.done $0x0;
	(pc) =	sbr.rel @p0 .LBB2_1-.Ltmp1, $4  }
0x1b: {  	[sflag:s7] =	ssyncadd.s32 $0xFFFF0000  }
0x1c: {  	[hbm4b:s8+s3] =	stream.linear.scatter [tilespmem:s6], [sflag:$0x2], $0x10000, $0x38;
	[tilespmem:$0x10200] =	vst v63  }
0x1d: {  	_ =	swait.ge [sflag:s4], $0x10000  }
0x1e: {  	[sflag:s4] =	ssyncset.done $0x0  }
.LBB2_2:
0x1f: {  	[sflag:s4] =	ssyncadd.s32 $0xFFFF0000  }
0x20: {  	_ =	sfence.sel $0x180000  }
0x21: {  	[bflag:$0x0] =	sbarrier.arrive $0xFFFF  }
0x22: {  	p0 =	sne.s32 s0, $0x0;
	_ =	strace $0x9000004A  }
0x23: {  	s0 =	sadd.s32 @!p0 $0x100000, s1;
	[bflag:$0x2] =	sbarrier.arrive $0xFFFF  }
0x24: {  	[sflag:s0] =	ssyncadd.tile.s32 @!p0 $0x1;
	_ =	shalt  }
.Lfunc_end2:
_tile_overlayer_lowered:
.L_overlay_start_2:
0x25: {  	(tag) =	ssettag $0x2  }
0x26: {  	s0 =	rddreg [dreg:$0x0];
	s2 =	stileid.u32  }
0x27: {  	s1 =	rddreg [dreg:$0x1];
	p0 =	sne.s32 s2, $0x0  }
0x28: {  	s3 =	rddreg [dreg:$0x2];
	[bflag:$0x3] =	sbarrier.arrive $0xFFFF;
	s2 =	simm.s32 @!p0 $0x1C02  }
0x29: {  	[timem:s3], [sflag:s2] =	dma.local @!p0 [hbm:s0], s1  }
0x2a: {  	s0 =	simm.s32 @!p0 $0x2  }
0x2b: {  	_ =	swait.ge @!p0 [sflag:s0], s1  }
0x2c: {  	s1 =	ssub.s32 @!p0 $0x0, s1;
	[sflag:s0] =	ssyncset.done @!p0 $0x0  }
0x2d: {  	[sflag:s0] =	ssyncadd.s32 @!p0 s1  }
0x2e: {  	[bflag:$0x3] =	sbarrier.arrive $0xFFFF  }
0x2f: {  	_ =	shalt  }

// kernel: kernel.23.cloned.1.call-start
scs
__scs_entry_jumppad:
0x0: {  	(pc) =	sbr.rel $0x88, $3  }
0x1: {  	(tag) =	ssettag $0x0;
	lr =	simm.s32 $0x1  }
0x2: {  	[smem:$0x3F9D] =	sst lr;
	_ =	strace $0xD0000000  }
0x3: {  	_ = 	snop  }
0x4: {  	_ = 	snop  }
0x5: {  	_ = 	snop  }
0x6: {  	_ = 	snop  }
0x7: {  	_ = 	snop  }
__scs_overlays_trampoline_lowered:
0x8: {  	[smem:$0x3FAC] =	sst s0  }
0x9: {  	[smem:$0x3FAD] =	sst s1  }
0xa: {  	[smem:$0x3FAE] =	sst s2  }
0xb: {  	[smem:$0x3FAF] =	sst s3  }
0xc: {  	[smem:$0x3FB0] =	sst s4  }
0xd: {  	[smem:$0x3FB1] =	sst s5  }
0xe: {  	[smem:$0x3FB2] =	sst s6  }
0xf: {  	[smem:$0x3FB3] =	sst s7  }
0x10: {  	[smem:$0x3FB4] =	sst s8  }
0x11: {  	[smem:$0x3FB5] =	sst s9;
	s0 =	simm.s32 @!p0 $0x0  }
0x12: {  	s1 =	sld [smem:$0x3F9B];
	s0 =	simm.s32 @p0 $0x1  }
0x13: {  	[smem:$0x3FB6] =	sst s0;
	s0 =	simm.s32 @!p1 $0x0  }
0x14: {  	s2 =	sld [smem:$0x3F9A];
	s0 =	simm.s32 @p1 $0x1  }
0x15: {  	[smem:$0x3FB7] =	sst s0;
	s0 =	simm.s32 @!p2 $0x0  }
0x16: {  	s3 =	sld [smem:$0x3FDB];
	s0 =	simm.s32 @p2 $0x1  }
0x17: {  	s4 =	simm.s32 $0x1BF5;
	[smem:$0x3FB9] =	sst s0  }
0x18: {  	s0 =	sld [smem:$0x3F9C];
	_ =	swait.ge [sflag:s4], $0x0  }
0x19: {  	s7 =	sld [smem:$0x3F9D]  }
0x1a: {  	s8 =	sadd.s32 $0xFFFFE003, lr  }
0x1b: {  	s9 =	sadd.s32 $0xFFFFFEF7, lr;
	s5 =	simm.s32 $0xFFFFFFFF;
	p2 =	slt.u32 s8, $0xFFFFF086  }
0x1c: {  	p1 =	slt.u32 s9, $0xF7A;
	s5 =	simm.s32 @!p2 $0x0  }
0x1d: {  	s5 =	simm.s32 @p1 $0x1;
	p0 =	seq.s32 s7, s2  }
0x1e: {  	s7 =	smul.u32 @!p0 $0xF7A, s2;
	p2 =	seq.s32 @!p0 s5, $0x0  }
0x1f: {  	s9 =	smul.u32 $0xF7A, s1;
	s8 =	simm.s32 @!p0 $0x1BF5;
	p2 =	por !p2, p0  }
0x20: {  	[sflag:s8] =	ssyncset.s32 @!p0 $0xFFFFF086;
	s6 =	sadd.s32 @!p0 s3, s7;
	s7 =	simm.s32 @!p0 $0x108  }
0x21: {  	s3 =	sadd.s32 s3, s9;
	s6 =	sadd.s32 @!p0 $0x88, s6;
	s7 =	simm.s32 @p2 $0x1082  }
0x22: {  	[simem:s7], [sflag:s8] =	dma.local @!p0 [hbm:s6], $0xF7A  }
0x23: {  	s9 =	sor.u32 $0xD0000000, s2;
	s6 =	simm.s32 $0x108;
	_ =	swait.ge @!p0 [sflag:s8], $0x0  }
0x24: {  	s3 =	sadd.s32 $0x88, s3;
	s6 =	simm.s32 @!p1 $0x1082;
	[sflag:s4] =	ssyncset.s32 $0xFFFFF086  }
0x25: {  	[simem:s6], [sflag:s4] =	dma.local [hbm:s3], $0xF7A  }
0x26: {  	[smem:$0x3F9D] =	sst s1;
	(tag) =	ssettag s2;
	_ =	strace s9  }
0x27: {  	s1 =	sld [smem:$0x3FAD]  }
0x28: {  	s2 =	sld [smem:$0x3FAE]  }
0x29: {  	s4 =	sld [smem:$0x3FB0]  }
0x2a: {  	p0 =	seq.s32 s5, $0x0;
	s5 =	sld [smem:$0x3FB1]  }
0x2b: {  	s6 =	sld [smem:$0x3FB2]  }
0x2c: {  	s7 =	sld [smem:$0x3FB3]  }
0x2d: {  	s3 =	simm.s32 $0x108;
	s8 =	sld [smem:$0x3FB4]  }
0x2e: {  	s3 =	simm.s32 @!p0 $0x1082;
	s9 =	sld [smem:$0x3FB5]  }
0x2f: {  	lr =	sadd.s32 s0, s3;
	s0 =	sld [smem:$0x3FAC]  }
0x30: {  	s3 =	sld [smem:$0x3FAF]  }
0x31: {  	[smem:$0x3FB8] =	sst s10  }
0x32: {  	s10 =	sld [smem:$0x3FB6];
	_ =	sdelay $0x3  }
0x33: {  	p0 =	seq.s32 s10, $0x1;
	s10 =	sld [smem:$0x3FB8];
	_ =	sdelay $0x3  }
0x34: {  	[smem:$0x3FB8] =	sst s10  }
0x35: {  	s10 =	sld [smem:$0x3FB7];
	_ =	sdelay $0x3  }
0x36: {  	p1 =	seq.s32 s10, $0x1;
	s10 =	sld [smem:$0x3FB8];
	_ =	sdelay $0x3  }
0x37: {  	[smem:$0x3FB8] =	sst s10  }
0x38: {  	s10 =	sld [smem:$0x3FB9]  }
0x39: {  	_ = 	snop;
	(pc) =	sbr.ind lr, $3  }
0x3a: {  	_ = 	snop  }
0x3b: {  	_ = 	snop  }
0x3c: {  	p2 =	seq.s32 s10, $0x1;
	s10 =	sld [smem:$0x3FB8]  }
0x3d: {  	_ =	shalt  }
0x3e: {  	_ =	shalt  }
0x3f: {  	_ =	shalt  }
0x40: {  	_ =	shalt  }
0x41: {  	_ =	shalt  }
0x42: {  	_ =	shalt  }
0x43: {  	_ =	shalt  }
0x44: {  	_ =	shalt  }
0x45: {  	_ =	shalt  }
0x46: {  	_ =	shalt  }
0x47: {  	_ =	shalt  }
0x48: {  	_ =	shalt  }
0x49: {  	_ =	shalt  }
0x4a: {  	_ =	shalt  }
0x4b: {  	_ =	shalt  }
0x4c: {  	_ =	shalt  }
0x4d: {  	_ =	shalt  }
0x4e: {  	_ =	shalt  }
0x4f: {  	_ =	shalt  }
0x50: {  	_ =	shalt  }
0x51: {  	_ =	shalt  }
0x52: {  	_ =	shalt  }
0x53: {  	_ =	shalt  }
0x54: {  	_ =	shalt  }
0x55: {  	_ =	shalt  }
0x56: {  	_ =	shalt  }
0x57: {  	_ =	shalt  }
0x58: {  	_ =	shalt  }
0x59: {  	_ =	shalt  }
0x5a: {  	_ =	shalt  }
0x5b: {  	_ =	shalt  }
0x5c: {  	_ =	shalt  }
0x5d: {  	_ =	shalt  }
0x5e: {  	_ =	shalt  }
0x5f: {  	_ =	shalt  }
0x60: {  	_ =	shalt  }
0x61: {  	_ =	shalt  }
0x62: {  	_ =	shalt  }
0x63: {  	_ =	shalt  }
0x64: {  	_ =	shalt  }
0x65: {  	_ =	shalt  }
0x66: {  	_ =	shalt  }
0x67: {  	_ =	shalt  }
0x68: {  	_ =	shalt  }
0x69: {  	_ =	shalt  }
0x6a: {  	_ =	shalt  }
0x6b: {  	_ =	shalt  }
0x6c: {  	_ =	shalt  }
0x6d: {  	_ =	shalt  }
0x6e: {  	_ =	shalt  }
0x6f: {  	_ =	shalt  }
0x70: {  	_ =	shalt  }
0x71: {  	_ =	shalt  }
0x72: {  	_ =	shalt  }
0x73: {  	_ =	shalt  }
0x74: {  	_ =	shalt  }
0x75: {  	_ =	shalt  }
0x76: {  	_ =	shalt  }
0x77: {  	_ =	shalt  }
0x78: {  	_ =	shalt  }
0x79: {  	_ =	shalt  }
0x7a: {  	_ =	shalt  }
0x7b: {  	_ =	shalt  }
0x7c: {  	_ =	shalt  }
0x7d: {  	_ =	shalt  }
0x7e: {  	_ =	shalt  }
0x7f: {  	_ =	shalt  }
0x80: {  	_ =	shalt  }
0x81: {  	_ =	shalt  }
0x82: {  	_ =	shalt  }
0x83: {  	_ =	shalt  }
0x84: {  	_ =	shalt  }
0x85: {  	_ =	shalt  }
0x86: {  	_ =	shalt  }
0x87: {  	_ =	shalt  }
.Lfunc_end0:
.L_simem_size_0:
called_computation.2_lowered:
.L_overlay_start_0:
0x88: {  	s2 =	sld [smem:$0x3FD9]  }
0x89: {  	s3 =	sld [smem:$0x3FFE];
	_ =	sdelay $0x1  }
0x8a: {  	s1 =	srdreg.scid  }
0x8b: {  	s0 =	sand.u32 $0x1, s1  }
0x8c: {  	s17 =	sshll.u32 s0, $0xA;
	s2 =	sadd.s32 s3, s2  }
0x8d: {  	s2 =	sadd.s32 s2, s17  }
0x8e: {  	[smem:$0x3FC4] =	sst s2  }
0x8f: {  	_ = 	snop  }
0x90: {  	s2 =	sld [smem:$0x3FD0];
	(tm) =	ssettm $0x1  }
0x91: {  	s18 =	sld [smem:$0x3FFB];
	_ =	sdelay $0x3  }
0x92: {  	_ =	strace s18  }
0x93: {  	s3 =	sld [smem:$0x3FFC];
	_ =	sdelay $0x3  }
0x94: {  	_ =	strace s3  }
0x95: {  	s3 =	sld [smem:$0x3FFD];
	_ =	sdelay $0x3  }
0x96: {  	_ =	strace s3  }
0x97: {  	_ =	strace $0x8FFFFFFF  }
0x98: {  	s19 =	sld [smem:$0x3FDB];
	_ =	sdelay $0x1  }
0x99: {  	s4 =	simm.s32 $_scs_section_size  }
0x9a: {  	s5 =	simm.s32 $_size__tile_overlayer_lowered;
	s6 =	simm.s32 $_tile_overlayer_lowered  }
0x9b: {  	s22 =	simm.s32 $0x1BFF;
	s21 =	sshll.u32 s6, $0x1;
	s3 =	sadd.s32 s4, s19  }
0x9c: {  	s7 =	simm.s32 $0x0;
	s20 =	sshll.u32 s5, $0x1;
	s5 =	sadd.s32 s21, s3  }
0x9d: {  	[timem:s7], [sflag:s22] =	dma.local [hbm:s5], s20  }
0x9e: {  	_ =	swait.ge [sflag:s22], s20  }
0x9f: {  	s4 =	ssub.s32 $0x0, s20;
	[sflag:s22] =	ssyncset.done $0x0  }
0xa0: {  	[sflag:s22] =	ssyncadd.s32 s4;
	_ =	sdelay $0x1  }
0xa1: {  	s23 =	simm.s32 $0x1B8B  }
0xa2: {  	_ =	swait.ge [sflag:s23], $0x1  }
0xa3: {  	[sflag:s23] =	ssyncset.done $0x0  }
0xa4: {  	s25 =	simm.s32 $0x1B8E;
	s24 =	sld [smem:$0x3FFE];
	[sflag:s23] =	ssyncadd.s32 $0xFFFFFFFF  }
0xa5: {  	s26 =	simm.s32 $execute0_lowered;
	[smem:$0x3FD2] =	sst s25  }
0xa6: {  	s5 =	sshll.u32 s26, $0x1;
	_ =	strace $0x8000004C;
	[dreg:$0x1] =	wrdreg $0xFFFFFFFF  }
0xa7: {  	s28 =	simm.s32 $_size_execute0_lowered;
	s3 =	sadd.s32 s3, s5;
	[dreg:$0x0] =	wrdreg $0x0  }
0xa8: {  	s5 =	sshll.u32 s28, $0x1;
	[dreg:$0x2] =	wrdreg s3  }
0xa9: {  	[dreg:$0x3] =	wrdreg s5  }
0xaa: {  	[dreg:$0x4] =	wrdreg $0xC0  }
0xab: {  	_ =	task [dreg:s7], $0x5FFFF  }
0xac: {  	[dreg:$0x1] =	wrdreg $0xFFFFFFFF  }
0xad: {  	[dreg:$0x0] =	wrdreg $0x60  }
0xae: {  	[dreg:$0x2] =	wrdreg s2  }
0xaf: {  	[dreg:$0x3] =	wrdreg s24  }
0xb0: {  	[dreg:$0x4] =	wrdreg $0x9  }
0xb1: {  	_ =	task.clear_ibuf [dreg:s7], $0x5FFFF;
	_ =	strace $0x9000004C  }
0xb2: {  	s29 =	simm.s32 $0x9;
	_ =	strace $0x8000004E  }
0xb3: {  	_ =	swait.ge [sflag:s29], $0x1  }
0xb4: {  	[sflag:s29] =	ssyncadd.s32 $0xFFFFFFFF  }
0xb5: {  	_ =	strace $0x9000004E  }
0xb6: {  	_ =	sfence  }
0xb7: {  	s30 =	sld [smem:$0x0];
	_ =	sdelay $0x2  }
0xb8: {  	s31 =	sshll.u32 s1, $0xD;
	s1 =	sshrl.u32 s1, $0x2  }
0xb9: {  	s3 =	sand.u32 $0x4000, s31;
	s1 =	sadd.s32 s1, s30  }
0xba: {  	s0 =	sor.u32 s3, s0;
	s1 =	sshll.u32 s1, $0x11  }
0xbb: {  	s0 =	sor.u32 s1, s0  }
0xbc: {  	s0 =	sadd.s32 $0x8F2B, s0  }
0xbd: {  	[sflag:s0] =	ssyncadd.remote.s32 $0x1  }
0xbe: {  	_ =	sfence.sel $0xFFFF  }
0xbf: {  	[dreg:$0x0] =	wrdreg $0xFFFFFFFF;
	(pc) =	sbr.abs _section_cstart, $3  }
0xc0: {  	[dreg:$0x1] =	wrdreg $0xFFFFFFFF  }
0xc1: {  	_ =	task.clear_ibuf [dreg:s7], $0x2FFFF;
	_ =	strace $0x9FFFFFFF  }
0xc2: {  	(tm) =	ssettm $0x7FFFFFFF  }
0xc3: {  	_ =	shalt  }
tec
execute0_lowered:
.L_overlay_start_1:
0x0: {  	(tag) =	ssettag $0x1  }
0x1: {  	s1 =	srdreg.scid  }
0x2: {  	s0 =	stileid.u32;
	s6 =	sand.u32 $0x1, s1  }
0x3: {  	s2 =	rddreg [dreg:$0x0];
	s30 =	sshll.u32 s0, $0xA;
	s3 =	sshll.u32 s6, $0x9  }
0x4: {  	s8 =	rddreg [dreg:$0x1];
	s7 =	simm.s32 $0x1;
	s9 =	sor.u32 s3, s30  }
0x5: {  	s1 =	rddreg [dreg:$0x2];
	s3 =	simm.s32 $0x0;
	s4 =	sshrl.u32 s9, $0x3  }
0x6: {  	s10 =	ssub.s32 $0x2, s6;
	[smem:$0x7FF] =	sst s3;
	s4 =	sadd.s32 s4, s8  }
0x7: {  	_ =	strace $0x8000004D;
	s5 =	sadd.s32 $0x4000, s4;
	s4 =	simm.s32 $0x2  }
0x8: {  	[tilespmem:s3], [sflag:$0x2] =	stream.linear.gather [hbm4b:s5+s3], $0x200, $0x38;
	[tilespmem:$0x10200] =	vst v63  }
0x9: {  	s6 =	simm.s32 $0x200;
	s11 =	sshrl.u32 s10, $0x1;
	_ =	swait.ge [sflag:s4], $0x200  }
0xa: {  	s9 =	sshll.u32 s9, $0x4;
	s31 =	ssub.s32 s10, s11;
	[sflag:s4] =	ssyncset.done $0x0  }
0xb: {  	s8 =	sadd.s32 s9, s8;
	s9 =	smax.u32 s31, $0x1;
	[sflag:s4] =	ssyncadd.s32 $0xFFFFFE00  }
0xc: {  	[tilespmem:s6], [sflag:$0x1] =	stream.indirect.gather [hbm4b:s2+s6], $0x80, s3, s6, $0xb8;
	[tilespmem:$0x10200] =	vst v63  }
0xd: {  	p0 =	sne.s32 s9, $0x1;
	_ =	swait.ge [sflag:s7], $0x10000  }
.Ltmp0:
0xe: {  	[sflag:s7] =	ssyncset.done $0x0;
	(pc) =	sbr.rel @!p0 .LBB2_2-.Ltmp0, $4  }
0xf: {  	s8 =	sadd.s32 $0x6800, s8;
	[sflag:s7] =	ssyncadd.s32 $0xFFFF0000  }
0x10: {  	[hbm4b:s8+s3] =	stream.linear.scatter [tilespmem:s6], [sflag:$0x2], $0x10000, $0x38;
	[tilespmem:$0x10200] =	vst v63  }
0x11: {  	_ =	swait.ge [sflag:s4], $0x10000  }
0x12: {  	s9 =	sadd.s32 $0xFFFFFFFF, s9;
	[sflag:s4] =	ssyncset.done $0x0  }
.LBB2_1:
0x13: {  	p0 =	sne.s32 s9, $0x1;
	s9 =	sadd.s32 $0xFFFFFFFF, s9;
	[sflag:s4] =	ssyncadd.s32 $0xFFFF0000  }
0x14: {  	[tilespmem:s3], [sflag:$0x2] =	stream.linear.gather [hbm4b:s5+s3], $0x200, $0x38;
	[tilespmem:$0x10200] =	vst v63  }
0x15: {  	_ =	swait.ge [sflag:s4], $0x200  }
0x16: {  	[sflag:s4] =	ssyncset.done $0x0  }
0x17: {  	[sflag:s4] =	ssyncadd.s32 $0xFFFFFE00  }
0x18: {  	[tilespmem:s6], [sflag:$0x1] =	stream.indirect.gather [hbm4b:s2+s6], $0x80, s3, s6, $0xb8;
	[tilespmem:$0x10200] =	vst v63  }
0x19: {  	_ =	swait.ge [sflag:s7], $0x10000  }
.Ltmp1:
0x1a: {  	[sflag:s7] =	ssyncset.done $0x0;
	(pc) =	sbr.rel @p0 .LBB2_1-.Ltmp1, $4  }
0x1b: {  	[sflag:s7] =	ssyncadd.s32 $0xFFFF0000  }
0x1c: {  	[hbm4b:s8+s3] =	stream.linear.scatter [tilespmem:s6], [sflag:$0x2], $0x10000, $0x38;
	[tilespmem:$0x10200] =	vst v63  }
0x1d: {  	_ =	swait.ge [sflag:s4], $0x10000  }
0x1e: {  	[sflag:s4] =	ssyncset.done $0x0  }
.LBB2_2:
0x1f: {  	[sflag:s4] =	ssyncadd.s32 $0xFFFF0000  }
0x20: {  	_ =	sfence.sel $0x180000  }
0x21: {  	[bflag:$0x0] =	sbarrier.arrive $0xFFFF  }
0x22: {  	p0 =	sne.s32 s0, $0x0;
	_ =	strace $0x9000004D  }
0x23: {  	s0 =	sadd.s32 @!p0 $0x100000, s1;
	[bflag:$0x2] =	sbarrier.arrive $0xFFFF  }
0x24: {  	[sflag:s0] =	ssyncadd.tile.s32 @!p0 $0x1;
	_ =	shalt  }
.Lfunc_end2:
_tile_overlayer_lowered:
.L_overlay_start_2:
0x25: {  	(tag) =	ssettag $0x2  }
0x26: {  	s0 =	rddreg [dreg:$0x0];
	s2 =	stileid.u32  }
0x27: {  	s1 =	rddreg [dreg:$0x1];
	p0 =	sne.s32 s2, $0x0  }
0x28: {  	s3 =	rddreg [dreg:$0x2];
	[bflag:$0x3] =	sbarrier.arrive $0xFFFF;
	s2 =	simm.s32 @!p0 $0x1C02  }
0x29: {  	[timem:s3], [sflag:s2] =	dma.local @!p0 [hbm:s0], s1  }
0x2a: {  	s0 =	simm.s32 @!p0 $0x2  }
0x2b: {  	_ =	swait.ge @!p0 [sflag:s0], s1  }
0x2c: {  	s1 =	ssub.s32 @!p0 $0x0, s1;
	[sflag:s0] =	ssyncset.done @!p0 $0x0  }
0x2d: {  	[sflag:s0] =	ssyncadd.s32 @!p0 s1  }
0x2e: {  	[bflag:$0x3] =	sbarrier.arrive $0xFFFF  }
0x2f: {  	_ =	shalt  }

// kernel: kernel.26.cloned.1.call-start
scs
__scs_entry_jumppad:
0x0: {  	(pc) =	sbr.rel $0x88, $3  }
0x1: {  	(tag) =	ssettag $0x0;
	lr =	simm.s32 $0x1  }
0x2: {  	[smem:$0x3F9D] =	sst lr;
	_ =	strace $0xD0000000  }
0x3: {  	_ = 	snop  }
0x4: {  	_ = 	snop  }
0x5: {  	_ = 	snop  }
0x6: {  	_ = 	snop  }
0x7: {  	_ = 	snop  }
__scs_overlays_trampoline_lowered:
0x8: {  	[smem:$0x3FAC] =	sst s0  }
0x9: {  	[smem:$0x3FAD] =	sst s1  }
0xa: {  	[smem:$0x3FAE] =	sst s2  }
0xb: {  	[smem:$0x3FAF] =	sst s3  }
0xc: {  	[smem:$0x3FB0] =	sst s4  }
0xd: {  	[smem:$0x3FB1] =	sst s5  }
0xe: {  	[smem:$0x3FB2] =	sst s6  }
0xf: {  	[smem:$0x3FB3] =	sst s7  }
0x10: {  	[smem:$0x3FB4] =	sst s8  }
0x11: {  	[smem:$0x3FB5] =	sst s9;
	s0 =	simm.s32 @!p0 $0x0  }
0x12: {  	s1 =	sld [smem:$0x3F9B];
	s0 =	simm.s32 @p0 $0x1  }
0x13: {  	[smem:$0x3FB6] =	sst s0;
	s0 =	simm.s32 @!p1 $0x0  }
0x14: {  	s2 =	sld [smem:$0x3F9A];
	s0 =	simm.s32 @p1 $0x1  }
0x15: {  	[smem:$0x3FB7] =	sst s0;
	s0 =	simm.s32 @!p2 $0x0  }
0x16: {  	s3 =	sld [smem:$0x3FDB];
	s0 =	simm.s32 @p2 $0x1  }
0x17: {  	s4 =	simm.s32 $0x1BF5;
	[smem:$0x3FB9] =	sst s0  }
0x18: {  	s0 =	sld [smem:$0x3F9C];
	_ =	swait.ge [sflag:s4], $0x0  }
0x19: {  	s7 =	sld [smem:$0x3F9D]  }
0x1a: {  	s8 =	sadd.s32 $0xFFFFE003, lr  }
0x1b: {  	s9 =	sadd.s32 $0xFFFFFEF7, lr;
	s5 =	simm.s32 $0xFFFFFFFF;
	p2 =	slt.u32 s8, $0xFFFFF086  }
0x1c: {  	p1 =	slt.u32 s9, $0xF7A;
	s5 =	simm.s32 @!p2 $0x0  }
0x1d: {  	s5 =	simm.s32 @p1 $0x1;
	p0 =	seq.s32 s7, s2  }
0x1e: {  	s7 =	smul.u32 @!p0 $0xF7A, s2;
	p2 =	seq.s32 @!p0 s5, $0x0  }
0x1f: {  	s9 =	smul.u32 $0xF7A, s1;
	s8 =	simm.s32 @!p0 $0x1BF5;
	p2 =	por !p2, p0  }
0x20: {  	[sflag:s8] =	ssyncset.s32 @!p0 $0xFFFFF086;
	s6 =	sadd.s32 @!p0 s3, s7;
	s7 =	simm.s32 @!p0 $0x108  }
0x21: {  	s3 =	sadd.s32 s3, s9;
	s6 =	sadd.s32 @!p0 $0x88, s6;
	s7 =	simm.s32 @p2 $0x1082  }
0x22: {  	[simem:s7], [sflag:s8] =	dma.local @!p0 [hbm:s6], $0xF7A  }
0x23: {  	s9 =	sor.u32 $0xD0000000, s2;
	s6 =	simm.s32 $0x108;
	_ =	swait.ge @!p0 [sflag:s8], $0x0  }
0x24: {  	s3 =	sadd.s32 $0x88, s3;
	s6 =	simm.s32 @!p1 $0x1082;
	[sflag:s4] =	ssyncset.s32 $0xFFFFF086  }
0x25: {  	[simem:s6], [sflag:s4] =	dma.local [hbm:s3], $0xF7A  }
0x26: {  	[smem:$0x3F9D] =	sst s1;
	(tag) =	ssettag s2;
	_ =	strace s9  }
0x27: {  	s1 =	sld [smem:$0x3FAD]  }
0x28: {  	s2 =	sld [smem:$0x3FAE]  }
0x29: {  	s4 =	sld [smem:$0x3FB0]  }
0x2a: {  	p0 =	seq.s32 s5, $0x0;
	s5 =	sld [smem:$0x3FB1]  }
0x2b: {  	s6 =	sld [smem:$0x3FB2]  }
0x2c: {  	s7 =	sld [smem:$0x3FB3]  }
0x2d: {  	s3 =	simm.s32 $0x108;
	s8 =	sld [smem:$0x3FB4]  }
0x2e: {  	s3 =	simm.s32 @!p0 $0x1082;
	s9 =	sld [smem:$0x3FB5]  }
0x2f: {  	lr =	sadd.s32 s0, s3;
	s0 =	sld [smem:$0x3FAC]  }
0x30: {  	s3 =	sld [smem:$0x3FAF]  }
0x31: {  	[smem:$0x3FB8] =	sst s10  }
0x32: {  	s10 =	sld [smem:$0x3FB6];
	_ =	sdelay $0x3  }
0x33: {  	p0 =	seq.s32 s10, $0x1;
	s10 =	sld [smem:$0x3FB8];
	_ =	sdelay $0x3  }
0x34: {  	[smem:$0x3FB8] =	sst s10  }
0x35: {  	s10 =	sld [smem:$0x3FB7];
	_ =	sdelay $0x3  }
0x36: {  	p1 =	seq.s32 s10, $0x1;
	s10 =	sld [smem:$0x3FB8];
	_ =	sdelay $0x3  }
0x37: {  	[smem:$0x3FB8] =	sst s10  }
0x38: {  	s10 =	sld [smem:$0x3FB9]  }
0x39: {  	_ = 	snop;
	(pc) =	sbr.ind lr, $3  }
0x3a: {  	_ = 	snop  }
0x3b: {  	_ = 	snop  }
0x3c: {  	p2 =	seq.s32 s10, $0x1;
	s10 =	sld [smem:$0x3FB8]  }
0x3d: {  	_ =	shalt  }
0x3e: {  	_ =	shalt  }
0x3f: {  	_ =	shalt  }
0x40: {  	_ =	shalt  }
0x41: {  	_ =	shalt  }
0x42: {  	_ =	shalt  }
0x43: {  	_ =	shalt  }
0x44: {  	_ =	shalt  }
0x45: {  	_ =	shalt  }
0x46: {  	_ =	shalt  }
0x47: {  	_ =	shalt  }
0x48: {  	_ =	shalt  }
0x49: {  	_ =	shalt  }
0x4a: {  	_ =	shalt  }
0x4b: {  	_ =	shalt  }
0x4c: {  	_ =	shalt  }
0x4d: {  	_ =	shalt  }
0x4e: {  	_ =	shalt  }
0x4f: {  	_ =	shalt  }
0x50: {  	_ =	shalt  }
0x51: {  	_ =	shalt  }
0x52: {  	_ =	shalt  }
0x53: {  	_ =	shalt  }
0x54: {  	_ =	shalt  }
0x55: {  	_ =	shalt  }
0x56: {  	_ =	shalt  }
0x57: {  	_ =	shalt  }
0x58: {  	_ =	shalt  }
0x59: {  	_ =	shalt  }
0x5a: {  	_ =	shalt  }
0x5b: {  	_ =	shalt  }
0x5c: {  	_ =	shalt  }
0x5d: {  	_ =	shalt  }
0x5e: {  	_ =	shalt  }
0x5f: {  	_ =	shalt  }
0x60: {  	_ =	shalt  }
0x61: {  	_ =	shalt  }
0x62: {  	_ =	shalt  }
0x63: {  	_ =	shalt  }
0x64: {  	_ =	shalt  }
0x65: {  	_ =	shalt  }
0x66: {  	_ =	shalt  }
0x67: {  	_ =	shalt  }
0x68: {  	_ =	shalt  }
0x69: {  	_ =	shalt  }
0x6a: {  	_ =	shalt  }
0x6b: {  	_ =	shalt  }
0x6c: {  	_ =	shalt  }
0x6d: {  	_ =	shalt  }
0x6e: {  	_ =	shalt  }
0x6f: {  	_ =	shalt  }
0x70: {  	_ =	shalt  }
0x71: {  	_ =	shalt  }
0x72: {  	_ =	shalt  }
0x73: {  	_ =	shalt  }
0x74: {  	_ =	shalt  }
0x75: {  	_ =	shalt  }
0x76: {  	_ =	shalt  }
0x77: {  	_ =	shalt  }
0x78: {  	_ =	shalt  }
0x79: {  	_ =	shalt  }
0x7a: {  	_ =	shalt  }
0x7b: {  	_ =	shalt  }
0x7c: {  	_ =	shalt  }
0x7d: {  	_ =	shalt  }
0x7e: {  	_ =	shalt  }
0x7f: {  	_ =	shalt  }
0x80: {  	_ =	shalt  }
0x81: {  	_ =	shalt  }
0x82: {  	_ =	shalt  }
0x83: {  	_ =	shalt  }
0x84: {  	_ =	shalt  }
0x85: {  	_ =	shalt  }
0x86: {  	_ =	shalt  }
0x87: {  	_ =	shalt  }
.Lfunc_end0:
.L_simem_size_0:
called_computation.3_lowered:
.L_overlay_start_0:
0x88: {  	s2 =	sld [smem:$0x3FD9]  }
0x89: {  	s3 =	sld [smem:$0x3FFE];
	_ =	sdelay $0x1  }
0x8a: {  	s1 =	srdreg.scid  }
0x8b: {  	s0 =	sand.u32 $0x1, s1  }
0x8c: {  	s17 =	sshll.u32 s0, $0xA;
	s2 =	sadd.s32 s3, s2  }
0x8d: {  	s2 =	sadd.s32 s2, s17  }
0x8e: {  	[smem:$0x3FC4] =	sst s2  }
0x8f: {  	_ = 	snop  }
0x90: {  	s2 =	sld [smem:$0x3FD0];
	(tm) =	ssettm $0x1  }
0x91: {  	s18 =	sld [smem:$0x3FFB];
	_ =	sdelay $0x3  }
0x92: {  	_ =	strace s18  }
0x93: {  	s3 =	sld [smem:$0x3FFC];
	_ =	sdelay $0x3  }
0x94: {  	_ =	strace s3  }
0x95: {  	s3 =	sld [smem:$0x3FFD];
	_ =	sdelay $0x3  }
0x96: {  	_ =	strace s3  }
0x97: {  	_ =	strace $0x8FFFFFFF  }
0x98: {  	s19 =	sld [smem:$0x3FDB];
	_ =	sdelay $0x1  }
0x99: {  	s4 =	simm.s32 $_scs_section_size  }
0x9a: {  	s5 =	simm.s32 $_size__tile_overlayer_lowered;
	s6 =	simm.s32 $_tile_overlayer_lowered  }
0x9b: {  	s22 =	simm.s32 $0x1BFF;
	s21 =	sshll.u32 s6, $0x1;
	s3 =	sadd.s32 s4, s19  }
0x9c: {  	s7 =	simm.s32 $0x0;
	s20 =	sshll.u32 s5, $0x1;
	s5 =	sadd.s32 s21, s3  }
0x9d: {  	[timem:s7], [sflag:s22] =	dma.local [hbm:s5], s20  }
0x9e: {  	_ =	swait.ge [sflag:s22], s20  }
0x9f: {  	s4 =	ssub.s32 $0x0, s20;
	[sflag:s22] =	ssyncset.done $0x0  }
0xa0: {  	[sflag:s22] =	ssyncadd.s32 s4;
	_ =	sdelay $0x1  }
0xa1: {  	s23 =	simm.s32 $0x1B8B  }
0xa2: {  	_ =	swait.ge [sflag:s23], $0x1  }
0xa3: {  	[sflag:s23] =	ssyncset.done $0x0  }
0xa4: {  	s25 =	simm.s32 $0x1B8E;
	s24 =	sld [smem:$0x3FFE];
	[sflag:s23] =	ssyncadd.s32 $0xFFFFFFFF  }
0xa5: {  	s26 =	simm.s32 $execute0_lowered;
	[smem:$0x3FD2] =	sst s25  }
0xa6: {  	s5 =	sshll.u32 s26, $0x1;
	_ =	strace $0x8000004F;
	[dreg:$0x1] =	wrdreg $0xFFFFFFFF  }
0xa7: {  	s28 =	simm.s32 $_size_execute0_lowered;
	s3 =	sadd.s32 s3, s5;
	[dreg:$0x0] =	wrdreg $0x0  }
0xa8: {  	s5 =	sshll.u32 s28, $0x1;
	[dreg:$0x2] =	wrdreg s3  }
0xa9: {  	[dreg:$0x3] =	wrdreg s5  }
0xaa: {  	[dreg:$0x4] =	wrdreg $0xC0  }
0xab: {  	_ =	task [dreg:s7], $0x5FFFF  }
0xac: {  	[dreg:$0x1] =	wrdreg $0xFFFFFFFF  }
0xad: {  	[dreg:$0x0] =	wrdreg $0x60  }
0xae: {  	[dreg:$0x2] =	wrdreg s2  }
0xaf: {  	[dreg:$0x3] =	wrdreg s24  }
0xb0: {  	[dreg:$0x4] =	wrdreg $0x9  }
0xb1: {  	_ =	task.clear_ibuf [dreg:s7], $0x5FFFF;
	_ =	strace $0x9000004F  }
0xb2: {  	s29 =	simm.s32 $0x9;
	_ =	strace $0x80000051  }
0xb3: {  	_ =	swait.ge [sflag:s29], $0x1  }
0xb4: {  	[sflag:s29] =	ssyncadd.s32 $0xFFFFFFFF  }
0xb5: {  	_ =	strace $0x90000051  }
0xb6: {  	_ =	sfence  }
0xb7: {  	s30 =	sld [smem:$0x0];
	_ =	sdelay $0x2  }
0xb8: {  	s31 =	sshll.u32 s1, $0xD;
	s1 =	sshrl.u32 s1, $0x2  }
0xb9: {  	s3 =	sand.u32 $0x4000, s31;
	s1 =	sadd.s32 s1, s30  }
0xba: {  	s0 =	sor.u32 s3, s0;
	s1 =	sshll.u32 s1, $0x11  }
0xbb: {  	s0 =	sor.u32 s1, s0  }
0xbc: {  	s0 =	sadd.s32 $0x8F2B, s0  }
0xbd: {  	[sflag:s0] =	ssyncadd.remote.s32 $0x1  }
0xbe: {  	_ =	sfence.sel $0xFFFF  }
0xbf: {  	[dreg:$0x0] =	wrdreg $0xFFFFFFFF;
	(pc) =	sbr.abs _section_cstart, $3  }
0xc0: {  	[dreg:$0x1] =	wrdreg $0xFFFFFFFF  }
0xc1: {  	_ =	task.clear_ibuf [dreg:s7], $0x2FFFF;
	_ =	strace $0x9FFFFFFF  }
0xc2: {  	(tm) =	ssettm $0x7FFFFFFF  }
0xc3: {  	_ =	shalt  }
tec
execute0_lowered:
.L_overlay_start_1:
0x0: {  	(tag) =	ssettag $0x1  }
0x1: {  	s1 =	srdreg.scid  }
0x2: {  	s0 =	stileid.u32;
	s6 =	sand.u32 $0x1, s1  }
0x3: {  	s2 =	rddreg [dreg:$0x0];
	s30 =	sshll.u32 s0, $0xA;
	s3 =	sshll.u32 s6, $0x9  }
0x4: {  	s8 =	rddreg [dreg:$0x1];
	s7 =	simm.s32 $0x1;
	s9 =	sor.u32 s3, s30  }
0x5: {  	s1 =	rddreg [dreg:$0x2];
	s3 =	simm.s32 $0x0;
	s4 =	sshrl.u32 s9, $0x3  }
0x6: {  	s10 =	ssub.s32 $0x2, s6;
	[smem:$0x7FF] =	sst s3;
	s4 =	sadd.s32 s4, s8  }
0x7: {  	_ =	strace $0x80000050;
	s5 =	sadd.s32 $0x4800, s4;
	s4 =	simm.s32 $0x2  }
0x8: {  	[tilespmem:s3], [sflag:$0x2] =	stream.linear.gather [hbm4b:s5+s3], $0x200, $0x38;
	[tilespmem:$0x10200] =	vst v63  }
0x9: {  	s6 =	simm.s32 $0x200;
	s11 =	sshrl.u32 s10, $0x1;
	_ =	swait.ge [sflag:s4], $0x200  }
0xa: {  	s9 =	sshll.u32 s9, $0x4;
	s31 =	ssub.s32 s10, s11;
	[sflag:s4] =	ssyncset.done $0x0  }
0xb: {  	s8 =	sadd.s32 s9, s8;
	s9 =	smax.u32 s31, $0x1;
	[sflag:s4] =	ssyncadd.s32 $0xFFFFFE00  }
0xc: {  	[tilespmem:s6], [sflag:$0x1] =	stream.indirect.gather [hbm4b:s2+s6], $0x80, s3, s6, $0xb8;
	[tilespmem:$0x10200] =	vst v63  }
0xd: {  	p0 =	sne.s32 s9, $0x1;
	_ =	swait.ge [sflag:s7], $0x10000  }
.Ltmp0:
0xe: {  	[sflag:s7] =	ssyncset.done $0x0;
	(pc) =	sbr.rel @!p0 .LBB2_2-.Ltmp0, $4  }
0xf: {  	s8 =	sadd.s32 $0x6800, s8;
	[sflag:s7] =	ssyncadd.s32 $0xFFFF0000  }
0x10: {  	[hbm4b:s8+s3] =	stream.linear.scatter [tilespmem:s6], [sflag:$0x2], $0x10000, $0x38;
	[tilespmem:$0x10200] =	vst v63  }
0x11: {  	_ =	swait.ge [sflag:s4], $0x10000  }
0x12: {  	s9 =	sadd.s32 $0xFFFFFFFF, s9;
	[sflag:s4] =	ssyncset.done $0x0  }
.LBB2_1:
0x13: {  	p0 =	sne.s32 s9, $0x1;
	s9 =	sadd.s32 $0xFFFFFFFF, s9;
	[sflag:s4] =	ssyncadd.s32 $0xFFFF0000  }
0x14: {  	[tilespmem:s3], [sflag:$0x2] =	stream.linear.gather [hbm4b:s5+s3], $0x200, $0x38;
	[tilespmem:$0x10200] =	vst v63  }
0x15: {  	_ =	swait.ge [sflag:s4], $0x200  }
0x16: {  	[sflag:s4] =	ssyncset.done $0x0  }
0x17: {  	[sflag:s4] =	ssyncadd.s32 $0xFFFFFE00  }
0x18: {  	[tilespmem:s6], [sflag:$0x1] =	stream.indirect.gather [hbm4b:s2+s6], $0x80, s3, s6, $0xb8;
	[tilespmem:$0x10200] =	vst v63  }
0x19: {  	_ =	swait.ge [sflag:s7], $0x10000  }
.Ltmp1:
0x1a: {  	[sflag:s7] =	ssyncset.done $0x0;
	(pc) =	sbr.rel @p0 .LBB2_1-.Ltmp1, $4  }
0x1b: {  	[sflag:s7] =	ssyncadd.s32 $0xFFFF0000  }
0x1c: {  	[hbm4b:s8+s3] =	stream.linear.scatter [tilespmem:s6], [sflag:$0x2], $0x10000, $0x38;
	[tilespmem:$0x10200] =	vst v63  }
0x1d: {  	_ =	swait.ge [sflag:s4], $0x10000  }
0x1e: {  	[sflag:s4] =	ssyncset.done $0x0  }
.LBB2_2:
0x1f: {  	[sflag:s4] =	ssyncadd.s32 $0xFFFF0000  }
0x20: {  	_ =	sfence.sel $0x180000  }
0x21: {  	[bflag:$0x0] =	sbarrier.arrive $0xFFFF  }
0x22: {  	p0 =	sne.s32 s0, $0x0;
	_ =	strace $0x90000050  }
0x23: {  	s0 =	sadd.s32 @!p0 $0x100000, s1;
	[bflag:$0x2] =	sbarrier.arrive $0xFFFF  }
0x24: {  	[sflag:s0] =	ssyncadd.tile.s32 @!p0 $0x1;
	_ =	shalt  }
.Lfunc_end2:
_tile_overlayer_lowered:
.L_overlay_start_2:
0x25: {  	(tag) =	ssettag $0x2  }
0x26: {  	s0 =	rddreg [dreg:$0x0];
	s2 =	stileid.u32  }
0x27: {  	s1 =	rddreg [dreg:$0x1];
	p0 =	sne.s32 s2, $0x0  }
0x28: {  	s3 =	rddreg [dreg:$0x2];
	[bflag:$0x3] =	sbarrier.arrive $0xFFFF;
	s2 =	simm.s32 @!p0 $0x1C02  }
0x29: {  	[timem:s3], [sflag:s2] =	dma.local @!p0 [hbm:s0], s1  }
0x2a: {  	s0 =	simm.s32 @!p0 $0x2  }
0x2b: {  	_ =	swait.ge @!p0 [sflag:s0], s1  }
0x2c: {  	s1 =	ssub.s32 @!p0 $0x0, s1;
	[sflag:s0] =	ssyncset.done @!p0 $0x0  }
0x2d: {  	[sflag:s0] =	ssyncadd.s32 @!p0 s1  }
0x2e: {  	[bflag:$0x3] =	sbarrier.arrive $0xFFFF  }
0x2f: {  	_ =	shalt  }

// kernel: kernel.29.cloned.1.call-start
scs
__scs_entry_jumppad:
0x0: {  	(pc) =	sbr.rel $0x88, $3  }
0x1: {  	(tag) =	ssettag $0x0;
	lr =	simm.s32 $0x1  }
0x2: {  	[smem:$0x3F9D] =	sst lr;
	_ =	strace $0xD0000000  }
0x3: {  	_ = 	snop  }
0x4: {  	_ = 	snop  }
0x5: {  	_ = 	snop  }
0x6: {  	_ = 	snop  }
0x7: {  	_ = 	snop  }
__scs_overlays_trampoline_lowered:
0x8: {  	[smem:$0x3FAC] =	sst s0  }
0x9: {  	[smem:$0x3FAD] =	sst s1  }
0xa: {  	[smem:$0x3FAE] =	sst s2  }
0xb: {  	[smem:$0x3FAF] =	sst s3  }
0xc: {  	[smem:$0x3FB0] =	sst s4  }
0xd: {  	[smem:$0x3FB1] =	sst s5  }
0xe: {  	[smem:$0x3FB2] =	sst s6  }
0xf: {  	[smem:$0x3FB3] =	sst s7  }
0x10: {  	[smem:$0x3FB4] =	sst s8  }
0x11: {  	[smem:$0x3FB5] =	sst s9;
	s0 =	simm.s32 @!p0 $0x0  }
0x12: {  	s1 =	sld [smem:$0x3F9B];
	s0 =	simm.s32 @p0 $0x1  }
0x13: {  	[smem:$0x3FB6] =	sst s0;
	s0 =	simm.s32 @!p1 $0x0  }
0x14: {  	s2 =	sld [smem:$0x3F9A];
	s0 =	simm.s32 @p1 $0x1  }
0x15: {  	[smem:$0x3FB7] =	sst s0;
	s0 =	simm.s32 @!p2 $0x0  }
0x16: {  	s3 =	sld [smem:$0x3FDB];
	s0 =	simm.s32 @p2 $0x1  }
0x17: {  	s4 =	simm.s32 $0x1BF5;
	[smem:$0x3FB9] =	sst s0  }
0x18: {  	s0 =	sld [smem:$0x3F9C];
	_ =	swait.ge [sflag:s4], $0x0  }
0x19: {  	s7 =	sld [smem:$0x3F9D]  }
0x1a: {  	s8 =	sadd.s32 $0xFFFFE003, lr  }
0x1b: {  	s9 =	sadd.s32 $0xFFFFFEF7, lr;
	s5 =	simm.s32 $0xFFFFFFFF;
	p2 =	slt.u32 s8, $0xFFFFF086  }
0x1c: {  	p1 =	slt.u32 s9, $0xF7A;
	s5 =	simm.s32 @!p2 $0x0  }
0x1d: {  	s5 =	simm.s32 @p1 $0x1;
	p0 =	seq.s32 s7, s2  }
0x1e: {  	s7 =	smul.u32 @!p0 $0xF7A, s2;
	p2 =	seq.s32 @!p0 s5, $0x0  }
0x1f: {  	s9 =	smul.u32 $0xF7A, s1;
	s8 =	simm.s32 @!p0 $0x1BF5;
	p2 =	por !p2, p0  }
0x20: {  	[sflag:s8] =	ssyncset.s32 @!p0 $0xFFFFF086;
	s6 =	sadd.s32 @!p0 s3, s7;
	s7 =	simm.s32 @!p0 $0x108  }
0x21: {  	s3 =	sadd.s32 s3, s9;
	s6 =	sadd.s32 @!p0 $0x88, s6;
	s7 =	simm.s32 @p2 $0x1082  }
0x22: {  	[simem:s7], [sflag:s8] =	dma.local @!p0 [hbm:s6], $0xF7A  }
0x23: {  	s9 =	sor.u32 $0xD0000000, s2;
	s6 =	simm.s32 $0x108;
	_ =	swait.ge @!p0 [sflag:s8], $0x0  }
0x24: {  	s3 =	sadd.s32 $0x88, s3;
	s6 =	simm.s32 @!p1 $0x1082;
	[sflag:s4] =	ssyncset.s32 $0xFFFFF086  }
0x25: {  	[simem:s6], [sflag:s4] =	dma.local [hbm:s3], $0xF7A  }
0x26: {  	[smem:$0x3F9D] =	sst s1;
	(tag) =	ssettag s2;
	_ =	strace s9  }
0x27: {  	s1 =	sld [smem:$0x3FAD]  }
0x28: {  	s2 =	sld [smem:$0x3FAE]  }
0x29: {  	s4 =	sld [smem:$0x3FB0]  }
0x2a: {  	p0 =	seq.s32 s5, $0x0;
	s5 =	sld [smem:$0x3FB1]  }
0x2b: {  	s6 =	sld [smem:$0x3FB2]  }
0x2c: {  	s7 =	sld [smem:$0x3FB3]  }
0x2d: {  	s3 =	simm.s32 $0x108;
	s8 =	sld [smem:$0x3FB4]  }
0x2e: {  	s3 =	simm.s32 @!p0 $0x1082;
	s9 =	sld [smem:$0x3FB5]  }
0x2f: {  	lr =	sadd.s32 s0, s3;
	s0 =	sld [smem:$0x3FAC]  }
0x30: {  	s3 =	sld [smem:$0x3FAF]  }
0x31: {  	[smem:$0x3FB8] =	sst s10  }
0x32: {  	s10 =	sld [smem:$0x3FB6];
	_ =	sdelay $0x3  }
0x33: {  	p0 =	seq.s32 s10, $0x1;
	s10 =	sld [smem:$0x3FB8];
	_ =	sdelay $0x3  }
0x34: {  	[smem:$0x3FB8] =	sst s10  }
0x35: {  	s10 =	sld [smem:$0x3FB7];
	_ =	sdelay $0x3  }
0x36: {  	p1 =	seq.s32 s10, $0x1;
	s10 =	sld [smem:$0x3FB8];
	_ =	sdelay $0x3  }
0x37: {  	[smem:$0x3FB8] =	sst s10  }
0x38: {  	s10 =	sld [smem:$0x3FB9]  }
0x39: {  	_ = 	snop;
	(pc) =	sbr.ind lr, $3  }
0x3a: {  	_ = 	snop  }
0x3b: {  	_ = 	snop  }
0x3c: {  	p2 =	seq.s32 s10, $0x1;
	s10 =	sld [smem:$0x3FB8]  }
0x3d: {  	_ =	shalt  }
0x3e: {  	_ =	shalt  }
0x3f: {  	_ =	shalt  }
0x40: {  	_ =	shalt  }
0x41: {  	_ =	shalt  }
0x42: {  	_ =	shalt  }
0x43: {  	_ =	shalt  }
0x44: {  	_ =	shalt  }
0x45: {  	_ =	shalt  }
0x46: {  	_ =	shalt  }
0x47: {  	_ =	shalt  }
0x48: {  	_ =	shalt  }
0x49: {  	_ =	shalt  }
0x4a: {  	_ =	shalt  }
0x4b: {  	_ =	shalt  }
0x4c: {  	_ =	shalt  }
0x4d: {  	_ =	shalt  }
0x4e: {  	_ =	shalt  }
0x4f: {  	_ =	shalt  }
0x50: {  	_ =	shalt  }
0x51: {  	_ =	shalt  }
0x52: {  	_ =	shalt  }
0x53: {  	_ =	shalt  }
0x54: {  	_ =	shalt  }
0x55: {  	_ =	shalt  }
0x56: {  	_ =	shalt  }
0x57: {  	_ =	shalt  }
0x58: {  	_ =	shalt  }
0x59: {  	_ =	shalt  }
0x5a: {  	_ =	shalt  }
0x5b: {  	_ =	shalt  }
0x5c: {  	_ =	shalt  }
0x5d: {  	_ =	shalt  }
0x5e: {  	_ =	shalt  }
0x5f: {  	_ =	shalt  }
0x60: {  	_ =	shalt  }
0x61: {  	_ =	shalt  }
0x62: {  	_ =	shalt  }
0x63: {  	_ =	shalt  }
0x64: {  	_ =	shalt  }
0x65: {  	_ =	shalt  }
0x66: {  	_ =	shalt  }
0x67: {  	_ =	shalt  }
0x68: {  	_ =	shalt  }
0x69: {  	_ =	shalt  }
0x6a: {  	_ =	shalt  }
0x6b: {  	_ =	shalt  }
0x6c: {  	_ =	shalt  }
0x6d: {  	_ =	shalt  }
0x6e: {  	_ =	shalt  }
0x6f: {  	_ =	shalt  }
0x70: {  	_ =	shalt  }
0x71: {  	_ =	shalt  }
0x72: {  	_ =	shalt  }
0x73: {  	_ =	shalt  }
0x74: {  	_ =	shalt  }
0x75: {  	_ =	shalt  }
0x76: {  	_ =	shalt  }
0x77: {  	_ =	shalt  }
0x78: {  	_ =	shalt  }
0x79: {  	_ =	shalt  }
0x7a: {  	_ =	shalt  }
0x7b: {  	_ =	shalt  }
0x7c: {  	_ =	shalt  }
0x7d: {  	_ =	shalt  }
0x7e: {  	_ =	shalt  }
0x7f: {  	_ =	shalt  }
0x80: {  	_ =	shalt  }
0x81: {  	_ =	shalt  }
0x82: {  	_ =	shalt  }
0x83: {  	_ =	shalt  }
0x84: {  	_ =	shalt  }
0x85: {  	_ =	shalt  }
0x86: {  	_ =	shalt  }
0x87: {  	_ =	shalt  }
.Lfunc_end0:
.L_simem_size_0:
called_computation.4_lowered:
.L_overlay_start_0:
0x88: {  	s2 =	sld [smem:$0x3FD9]  }
0x89: {  	s3 =	sld [smem:$0x3FFE];
	_ =	sdelay $0x1  }
0x8a: {  	s1 =	srdreg.scid  }
0x8b: {  	s0 =	sand.u32 $0x1, s1  }
0x8c: {  	s17 =	sshll.u32 s0, $0xA;
	s2 =	sadd.s32 s3, s2  }
0x8d: {  	s2 =	sadd.s32 s2, s17  }
0x8e: {  	[smem:$0x3FC4] =	sst s2  }
0x8f: {  	_ = 	snop  }
0x90: {  	s2 =	sld [smem:$0x3FD0];
	(tm) =	ssettm $0x1  }
0x91: {  	s18 =	sld [smem:$0x3FFB];
	_ =	sdelay $0x3  }
0x92: {  	_ =	strace s18  }
0x93: {  	s3 =	sld [smem:$0x3FFC];
	_ =	sdelay $0x3  }
0x94: {  	_ =	strace s3  }
0x95: {  	s3 =	sld [smem:$0x3FFD];
	_ =	sdelay $0x3  }
0x96: {  	_ =	strace s3  }
0x97: {  	_ =	strace $0x8FFFFFFF  }
0x98: {  	s19 =	sld [smem:$0x3FDB];
	_ =	sdelay $0x1  }
0x99: {  	s4 =	simm.s32 $_scs_section_size  }
0x9a: {  	s5 =	simm.s32 $_size__tile_overlayer_lowered;
	s6 =	simm.s32 $_tile_overlayer_lowered  }
0x9b: {  	s22 =	simm.s32 $0x1BFF;
	s21 =	sshll.u32 s6, $0x1;
	s3 =	sadd.s32 s4, s19  }
0x9c: {  	s7 =	simm.s32 $0x0;
	s20 =	sshll.u32 s5, $0x1;
	s5 =	sadd.s32 s21, s3  }
0x9d: {  	[timem:s7], [sflag:s22] =	dma.local [hbm:s5], s20  }
0x9e: {  	_ =	swait.ge [sflag:s22], s20  }
0x9f: {  	s4 =	ssub.s32 $0x0, s20;
	[sflag:s22] =	ssyncset.done $0x0  }
0xa0: {  	[sflag:s22] =	ssyncadd.s32 s4;
	_ =	sdelay $0x1  }
0xa1: {  	s23 =	simm.s32 $0x1B8B  }
0xa2: {  	_ =	swait.ge [sflag:s23], $0x1  }
0xa3: {  	[sflag:s23] =	ssyncset.done $0x0  }
0xa4: {  	s25 =	simm.s32 $0x1B8E;
	s24 =	sld [smem:$0x3FFE];
	[sflag:s23] =	ssyncadd.s32 $0xFFFFFFFF  }
0xa5: {  	s26 =	simm.s32 $execute0_lowered;
	[smem:$0x3FD2] =	sst s25  }
0xa6: {  	s5 =	sshll.u32 s26, $0x1;
	_ =	strace $0x80000052;
	[dreg:$0x1] =	wrdreg $0xFFFFFFFF  }
0xa7: {  	s28 =	simm.s32 $_size_execute0_lowered;
	s3 =	sadd.s32 s3, s5;
	[dreg:$0x0] =	wrdreg $0x0  }
0xa8: {  	s5 =	sshll.u32 s28, $0x1;
	[dreg:$0x2] =	wrdreg s3  }
0xa9: {  	[dreg:$0x3] =	wrdreg s5  }
0xaa: {  	[dreg:$0x4] =	wrdreg $0xC0  }
0xab: {  	_ =	task [dreg:s7], $0x5FFFF  }
0xac: {  	[dreg:$0x1] =	wrdreg $0xFFFFFFFF  }
0xad: {  	[dreg:$0x0] =	wrdreg $0x60  }
0xae: {  	[dreg:$0x2] =	wrdreg s2  }
0xaf: {  	[dreg:$0x3] =	wrdreg s24  }
0xb0: {  	[dreg:$0x4] =	wrdreg $0x9  }
0xb1: {  	_ =	task.clear_ibuf [dreg:s7], $0x5FFFF;
	_ =	strace $0x90000052  }
0xb2: {  	s29 =	simm.s32 $0x9;
	_ =	strace $0x80000054  }
0xb3: {  	_ =	swait.ge [sflag:s29], $0x1  }
0xb4: {  	[sflag:s29] =	ssyncadd.s32 $0xFFFFFFFF  }
0xb5: {  	_ =	strace $0x90000054  }
0xb6: {  	_ =	sfence  }
0xb7: {  	s30 =	sld [smem:$0x0];
	_ =	sdelay $0x2  }
0xb8: {  	s31 =	sshll.u32 s1, $0xD;
	s1 =	sshrl.u32 s1, $0x2  }
0xb9: {  	s3 =	sand.u32 $0x4000, s31;
	s1 =	sadd.s32 s1, s30  }
0xba: {  	s0 =	sor.u32 s3, s0;
	s1 =	sshll.u32 s1, $0x11  }
0xbb: {  	s0 =	sor.u32 s1, s0  }
0xbc: {  	s0 =	sadd.s32 $0x8F2B, s0  }
0xbd: {  	[sflag:s0] =	ssyncadd.remote.s32 $0x1  }
0xbe: {  	_ =	sfence.sel $0xFFFF  }
0xbf: {  	[dreg:$0x0] =	wrdreg $0xFFFFFFFF;
	(pc) =	sbr.abs _section_cstart, $3  }
0xc0: {  	[dreg:$0x1] =	wrdreg $0xFFFFFFFF  }
0xc1: {  	_ =	task.clear_ibuf [dreg:s7], $0x2FFFF;
	_ =	strace $0x9FFFFFFF  }
0xc2: {  	(tm) =	ssettm $0x7FFFFFFF  }
0xc3: {  	_ =	shalt  }
tec
execute0_lowered:
.L_overlay_start_1:
0x0: {  	(tag) =	ssettag $0x1  }
0x1: {  	s1 =	srdreg.scid  }
0x2: {  	s0 =	stileid.u32;
	s6 =	sand.u32 $0x1, s1  }
0x3: {  	s2 =	rddreg [dreg:$0x0];
	s30 =	sshll.u32 s0, $0xA;
	s3 =	sshll.u32 s6, $0x9  }
0x4: {  	s8 =	rddreg [dreg:$0x1];
	s7 =	simm.s32 $0x1;
	s9 =	sor.u32 s3, s30  }
0x5: {  	s1 =	rddreg [dreg:$0x2];
	s3 =	simm.s32 $0x0;
	s4 =	sshrl.u32 s9, $0x3  }
0x6: {  	s10 =	ssub.s32 $0x2, s6;
	[smem:$0x7FF] =	sst s3;
	s4 =	sadd.s32 s4, s8  }
0x7: {  	_ =	strace $0x80000053;
	s5 =	sadd.s32 $0x5000, s4;
	s4 =	simm.s32 $0x2  }
0x8: {  	[tilespmem:s3], [sflag:$0x2] =	stream.linear.gather [hbm4b:s5+s3], $0x200, $0x38;
	[tilespmem:$0x10200] =	vst v63  }
0x9: {  	s6 =	simm.s32 $0x200;
	s11 =	sshrl.u32 s10, $0x1;
	_ =	swait.ge [sflag:s4], $0x200  }
0xa: {  	s9 =	sshll.u32 s9, $0x4;
	s31 =	ssub.s32 s10, s11;
	[sflag:s4] =	ssyncset.done $0x0  }
0xb: {  	s8 =	sadd.s32 s9, s8;
	s9 =	smax.u32 s31, $0x1;
	[sflag:s4] =	ssyncadd.s32 $0xFFFFFE00  }
0xc: {  	[tilespmem:s6], [sflag:$0x1] =	stream.indirect.gather [hbm4b:s2+s6], $0x80, s3, s6, $0xb8;
	[tilespmem:$0x10200] =	vst v63  }
0xd: {  	p0 =	sne.s32 s9, $0x1;
	_ =	swait.ge [sflag:s7], $0x10000  }
.Ltmp0:
0xe: {  	[sflag:s7] =	ssyncset.done $0x0;
	(pc) =	sbr.rel @!p0 .LBB2_2-.Ltmp0, $4  }
0xf: {  	s8 =	sadd.s32 $0x6800, s8;
	[sflag:s7] =	ssyncadd.s32 $0xFFFF0000  }
0x10: {  	[hbm4b:s8+s3] =	stream.linear.scatter [tilespmem:s6], [sflag:$0x2], $0x10000, $0x38;
	[tilespmem:$0x10200] =	vst v63  }
0x11: {  	_ =	swait.ge [sflag:s4], $0x10000  }
0x12: {  	s9 =	sadd.s32 $0xFFFFFFFF, s9;
	[sflag:s4] =	ssyncset.done $0x0  }
.LBB2_1:
0x13: {  	p0 =	sne.s32 s9, $0x1;
	s9 =	sadd.s32 $0xFFFFFFFF, s9;
	[sflag:s4] =	ssyncadd.s32 $0xFFFF0000  }
0x14: {  	[tilespmem:s3], [sflag:$0x2] =	stream.linear.gather [hbm4b:s5+s3], $0x200, $0x38;
	[tilespmem:$0x10200] =	vst v63  }
0x15: {  	_ =	swait.ge [sflag:s4], $0x200  }
0x16: {  	[sflag:s4] =	ssyncset.done $0x0  }
0x17: {  	[sflag:s4] =	ssyncadd.s32 $0xFFFFFE00  }
0x18: {  	[tilespmem:s6], [sflag:$0x1] =	stream.indirect.gather [hbm4b:s2+s6], $0x80, s3, s6, $0xb8;
	[tilespmem:$0x10200] =	vst v63  }
0x19: {  	_ =	swait.ge [sflag:s7], $0x10000  }
.Ltmp1:
0x1a: {  	[sflag:s7] =	ssyncset.done $0x0;
	(pc) =	sbr.rel @p0 .LBB2_1-.Ltmp1, $4  }
0x1b: {  	[sflag:s7] =	ssyncadd.s32 $0xFFFF0000  }
0x1c: {  	[hbm4b:s8+s3] =	stream.linear.scatter [tilespmem:s6], [sflag:$0x2], $0x10000, $0x38;
	[tilespmem:$0x10200] =	vst v63  }
0x1d: {  	_ =	swait.ge [sflag:s4], $0x10000  }
0x1e: {  	[sflag:s4] =	ssyncset.done $0x0  }
.LBB2_2:
0x1f: {  	[sflag:s4] =	ssyncadd.s32 $0xFFFF0000  }
0x20: {  	_ =	sfence.sel $0x180000  }
0x21: {  	[bflag:$0x0] =	sbarrier.arrive $0xFFFF  }
0x22: {  	p0 =	sne.s32 s0, $0x0;
	_ =	strace $0x90000053  }
0x23: {  	s0 =	sadd.s32 @!p0 $0x100000, s1;
	[bflag:$0x2] =	sbarrier.arrive $0xFFFF  }
0x24: {  	[sflag:s0] =	ssyncadd.tile.s32 @!p0 $0x1;
	_ =	shalt  }
.Lfunc_end2:
_tile_overlayer_lowered:
.L_overlay_start_2:
0x25: {  	(tag) =	ssettag $0x2  }
0x26: {  	s0 =	rddreg [dreg:$0x0];
	s2 =	stileid.u32  }
0x27: {  	s1 =	rddreg [dreg:$0x1];
	p0 =	sne.s32 s2, $0x0  }
0x28: {  	s3 =	rddreg [dreg:$0x2];
	[bflag:$0x3] =	sbarrier.arrive $0xFFFF;
	s2 =	simm.s32 @!p0 $0x1C02  }
0x29: {  	[timem:s3], [sflag:s2] =	dma.local @!p0 [hbm:s0], s1  }
0x2a: {  	s0 =	simm.s32 @!p0 $0x2  }
0x2b: {  	_ =	swait.ge @!p0 [sflag:s0], s1  }
0x2c: {  	s1 =	ssub.s32 @!p0 $0x0, s1;
	[sflag:s0] =	ssyncset.done @!p0 $0x0  }
0x2d: {  	[sflag:s0] =	ssyncadd.s32 @!p0 s1  }
0x2e: {  	[bflag:$0x3] =	sbarrier.arrive $0xFFFF  }
0x2f: {  	_ =	shalt  }

// kernel: kernel.32.cloned.1.call-start
scs
__scs_entry_jumppad:
0x0: {  	(pc) =	sbr.rel $0x88, $3  }
0x1: {  	(tag) =	ssettag $0x0;
	lr =	simm.s32 $0x1  }
0x2: {  	[smem:$0x3F9D] =	sst lr;
	_ =	strace $0xD0000000  }
0x3: {  	_ = 	snop  }
0x4: {  	_ = 	snop  }
0x5: {  	_ = 	snop  }
0x6: {  	_ = 	snop  }
0x7: {  	_ = 	snop  }
__scs_overlays_trampoline_lowered:
0x8: {  	[smem:$0x3FAC] =	sst s0  }
0x9: {  	[smem:$0x3FAD] =	sst s1  }
0xa: {  	[smem:$0x3FAE] =	sst s2  }
0xb: {  	[smem:$0x3FAF] =	sst s3  }
0xc: {  	[smem:$0x3FB0] =	sst s4  }
0xd: {  	[smem:$0x3FB1] =	sst s5  }
0xe: {  	[smem:$0x3FB2] =	sst s6  }
0xf: {  	[smem:$0x3FB3] =	sst s7  }
0x10: {  	[smem:$0x3FB4] =	sst s8  }
0x11: {  	[smem:$0x3FB5] =	sst s9;
	s0 =	simm.s32 @!p0 $0x0  }
0x12: {  	s1 =	sld [smem:$0x3F9B];
	s0 =	simm.s32 @p0 $0x1  }
0x13: {  	[smem:$0x3FB6] =	sst s0;
	s0 =	simm.s32 @!p1 $0x0  }
0x14: {  	s2 =	sld [smem:$0x3F9A];
	s0 =	simm.s32 @p1 $0x1  }
0x15: {  	[smem:$0x3FB7] =	sst s0;
	s0 =	simm.s32 @!p2 $0x0  }
0x16: {  	s3 =	sld [smem:$0x3FDB];
	s0 =	simm.s32 @p2 $0x1  }
0x17: {  	s4 =	simm.s32 $0x1BF5;
	[smem:$0x3FB9] =	sst s0  }
0x18: {  	s0 =	sld [smem:$0x3F9C];
	_ =	swait.ge [sflag:s4], $0x0  }
0x19: {  	s7 =	sld [smem:$0x3F9D]  }
0x1a: {  	s8 =	sadd.s32 $0xFFFFE003, lr  }
0x1b: {  	s9 =	sadd.s32 $0xFFFFFEF7, lr;
	s5 =	simm.s32 $0xFFFFFFFF;
	p2 =	slt.u32 s8, $0xFFFFF086  }
0x1c: {  	p1 =	slt.u32 s9, $0xF7A;
	s5 =	simm.s32 @!p2 $0x0  }
0x1d: {  	s5 =	simm.s32 @p1 $0x1;
	p0 =	seq.s32 s7, s2  }
0x1e: {  	s7 =	smul.u32 @!p0 $0xF7A, s2;
	p2 =	seq.s32 @!p0 s5, $0x0  }
0x1f: {  	s9 =	smul.u32 $0xF7A, s1;
	s8 =	simm.s32 @!p0 $0x1BF5;
	p2 =	por !p2, p0  }
0x20: {  	[sflag:s8] =	ssyncset.s32 @!p0 $0xFFFFF086;
	s6 =	sadd.s32 @!p0 s3, s7;
	s7 =	simm.s32 @!p0 $0x108  }
0x21: {  	s3 =	sadd.s32 s3, s9;
	s6 =	sadd.s32 @!p0 $0x88, s6;
	s7 =	simm.s32 @p2 $0x1082  }
0x22: {  	[simem:s7], [sflag:s8] =	dma.local @!p0 [hbm:s6], $0xF7A  }
0x23: {  	s9 =	sor.u32 $0xD0000000, s2;
	s6 =	simm.s32 $0x108;
	_ =	swait.ge @!p0 [sflag:s8], $0x0  }
0x24: {  	s3 =	sadd.s32 $0x88, s3;
	s6 =	simm.s32 @!p1 $0x1082;
	[sflag:s4] =	ssyncset.s32 $0xFFFFF086  }
0x25: {  	[simem:s6], [sflag:s4] =	dma.local [hbm:s3], $0xF7A  }
0x26: {  	[smem:$0x3F9D] =	sst s1;
	(tag) =	ssettag s2;
	_ =	strace s9  }
0x27: {  	s1 =	sld [smem:$0x3FAD]  }
0x28: {  	s2 =	sld [smem:$0x3FAE]  }
0x29: {  	s4 =	sld [smem:$0x3FB0]  }
0x2a: {  	p0 =	seq.s32 s5, $0x0;
	s5 =	sld [smem:$0x3FB1]  }
0x2b: {  	s6 =	sld [smem:$0x3FB2]  }
0x2c: {  	s7 =	sld [smem:$0x3FB3]  }
0x2d: {  	s3 =	simm.s32 $0x108;
	s8 =	sld [smem:$0x3FB4]  }
0x2e: {  	s3 =	simm.s32 @!p0 $0x1082;
	s9 =	sld [smem:$0x3FB5]  }
0x2f: {  	lr =	sadd.s32 s0, s3;
	s0 =	sld [smem:$0x3FAC]  }
0x30: {  	s3 =	sld [smem:$0x3FAF]  }
0x31: {  	[smem:$0x3FB8] =	sst s10  }
0x32: {  	s10 =	sld [smem:$0x3FB6];
	_ =	sdelay $0x3  }
0x33: {  	p0 =	seq.s32 s10, $0x1;
	s10 =	sld [smem:$0x3FB8];
	_ =	sdelay $0x3  }
0x34: {  	[smem:$0x3FB8] =	sst s10  }
0x35: {  	s10 =	sld [smem:$0x3FB7];
	_ =	sdelay $0x3  }
0x36: {  	p1 =	seq.s32 s10, $0x1;
	s10 =	sld [smem:$0x3FB8];
	_ =	sdelay $0x3  }
0x37: {  	[smem:$0x3FB8] =	sst s10  }
0x38: {  	s10 =	sld [smem:$0x3FB9]  }
0x39: {  	_ = 	snop;
	(pc) =	sbr.ind lr, $3  }
0x3a: {  	_ = 	snop  }
0x3b: {  	_ = 	snop  }
0x3c: {  	p2 =	seq.s32 s10, $0x1;
	s10 =	sld [smem:$0x3FB8]  }
0x3d: {  	_ =	shalt  }
0x3e: {  	_ =	shalt  }
0x3f: {  	_ =	shalt  }
0x40: {  	_ =	shalt  }
0x41: {  	_ =	shalt  }
0x42: {  	_ =	shalt  }
0x43: {  	_ =	shalt  }
0x44: {  	_ =	shalt  }
0x45: {  	_ =	shalt  }
0x46: {  	_ =	shalt  }
0x47: {  	_ =	shalt  }
0x48: {  	_ =	shalt  }
0x49: {  	_ =	shalt  }
0x4a: {  	_ =	shalt  }
0x4b: {  	_ =	shalt  }
0x4c: {  	_ =	shalt  }
0x4d: {  	_ =	shalt  }
0x4e: {  	_ =	shalt  }
0x4f: {  	_ =	shalt  }
0x50: {  	_ =	shalt  }
0x51: {  	_ =	shalt  }
0x52: {  	_ =	shalt  }
0x53: {  	_ =	shalt  }
0x54: {  	_ =	shalt  }
0x55: {  	_ =	shalt  }
0x56: {  	_ =	shalt  }
0x57: {  	_ =	shalt  }
0x58: {  	_ =	shalt  }
0x59: {  	_ =	shalt  }
0x5a: {  	_ =	shalt  }
0x5b: {  	_ =	shalt  }
0x5c: {  	_ =	shalt  }
0x5d: {  	_ =	shalt  }
0x5e: {  	_ =	shalt  }
0x5f: {  	_ =	shalt  }
0x60: {  	_ =	shalt  }
0x61: {  	_ =	shalt  }
0x62: {  	_ =	shalt  }
0x63: {  	_ =	shalt  }
0x64: {  	_ =	shalt  }
0x65: {  	_ =	shalt  }
0x66: {  	_ =	shalt  }
0x67: {  	_ =	shalt  }
0x68: {  	_ =	shalt  }
0x69: {  	_ =	shalt  }
0x6a: {  	_ =	shalt  }
0x6b: {  	_ =	shalt  }
0x6c: {  	_ =	shalt  }
0x6d: {  	_ =	shalt  }
0x6e: {  	_ =	shalt  }
0x6f: {  	_ =	shalt  }
0x70: {  	_ =	shalt  }
0x71: {  	_ =	shalt  }
0x72: {  	_ =	shalt  }
0x73: {  	_ =	shalt  }
0x74: {  	_ =	shalt  }
0x75: {  	_ =	shalt  }
0x76: {  	_ =	shalt  }
0x77: {  	_ =	shalt  }
0x78: {  	_ =	shalt  }
0x79: {  	_ =	shalt  }
0x7a: {  	_ =	shalt  }
0x7b: {  	_ =	shalt  }
0x7c: {  	_ =	shalt  }
0x7d: {  	_ =	shalt  }
0x7e: {  	_ =	shalt  }
0x7f: {  	_ =	shalt  }
0x80: {  	_ =	shalt  }
0x81: {  	_ =	shalt  }
0x82: {  	_ =	shalt  }
0x83: {  	_ =	shalt  }
0x84: {  	_ =	shalt  }
0x85: {  	_ =	shalt  }
0x86: {  	_ =	shalt  }
0x87: {  	_ =	shalt  }
.Lfunc_end0:
.L_simem_size_0:
called_computation.5_lowered:
.L_overlay_start_0:
0x88: {  	s2 =	sld [smem:$0x3FD9]  }
0x89: {  	s3 =	sld [smem:$0x3FFE];
	_ =	sdelay $0x1  }
0x8a: {  	s1 =	srdreg.scid  }
0x8b: {  	s0 =	sand.u32 $0x1, s1  }
0x8c: {  	s17 =	sshll.u32 s0, $0xA;
	s2 =	sadd.s32 s3, s2  }
0x8d: {  	s2 =	sadd.s32 s2, s17  }
0x8e: {  	[smem:$0x3FC4] =	sst s2  }
0x8f: {  	_ = 	snop  }
0x90: {  	s2 =	sld [smem:$0x3FD0];
	(tm) =	ssettm $0x1  }
0x91: {  	s18 =	sld [smem:$0x3FFB];
	_ =	sdelay $0x3  }
0x92: {  	_ =	strace s18  }
0x93: {  	s3 =	sld [smem:$0x3FFC];
	_ =	sdelay $0x3  }
0x94: {  	_ =	strace s3  }
0x95: {  	s3 =	sld [smem:$0x3FFD];
	_ =	sdelay $0x3  }
0x96: {  	_ =	strace s3  }
0x97: {  	_ =	strace $0x8FFFFFFF  }
0x98: {  	s19 =	sld [smem:$0x3FDB];
	_ =	sdelay $0x1  }
0x99: {  	s4 =	simm.s32 $_scs_section_size  }
0x9a: {  	s5 =	simm.s32 $_size__tile_overlayer_lowered;
	s6 =	simm.s32 $_tile_overlayer_lowered  }
0x9b: {  	s22 =	simm.s32 $0x1BFF;
	s21 =	sshll.u32 s6, $0x1;
	s3 =	sadd.s32 s4, s19  }
0x9c: {  	s7 =	simm.s32 $0x0;
	s20 =	sshll.u32 s5, $0x1;
	s5 =	sadd.s32 s21, s3  }
0x9d: {  	[timem:s7], [sflag:s22] =	dma.local [hbm:s5], s20  }
0x9e: {  	_ =	swait.ge [sflag:s22], s20  }
0x9f: {  	s4 =	ssub.s32 $0x0, s20;
	[sflag:s22] =	ssyncset.done $0x0  }
0xa0: {  	[sflag:s22] =	ssyncadd.s32 s4;
	_ =	sdelay $0x1  }
0xa1: {  	s23 =	simm.s32 $0x1B8B  }
0xa2: {  	_ =	swait.ge [sflag:s23], $0x1  }
0xa3: {  	[sflag:s23] =	ssyncset.done $0x0  }
0xa4: {  	s25 =	simm.s32 $0x1B8E;
	s24 =	sld [smem:$0x3FFE];
	[sflag:s23] =	ssyncadd.s32 $0xFFFFFFFF  }
0xa5: {  	s26 =	simm.s32 $execute0_lowered;
	[smem:$0x3FD2] =	sst s25  }
0xa6: {  	s5 =	sshll.u32 s26, $0x1;
	_ =	strace $0x80000055;
	[dreg:$0x1] =	wrdreg $0xFFFFFFFF  }
0xa7: {  	s28 =	simm.s32 $_size_execute0_lowered;
	s3 =	sadd.s32 s3, s5;
	[dreg:$0x0] =	wrdreg $0x0  }
0xa8: {  	s5 =	sshll.u32 s28, $0x1;
	[dreg:$0x2] =	wrdreg s3  }
0xa9: {  	[dreg:$0x3] =	wrdreg s5  }
0xaa: {  	[dreg:$0x4] =	wrdreg $0xC0  }
0xab: {  	_ =	task [dreg:s7], $0x5FFFF  }
0xac: {  	[dreg:$0x1] =	wrdreg $0xFFFFFFFF  }
0xad: {  	[dreg:$0x0] =	wrdreg $0x60  }
0xae: {  	[dreg:$0x2] =	wrdreg s2  }
0xaf: {  	[dreg:$0x3] =	wrdreg s24  }
0xb0: {  	[dreg:$0x4] =	wrdreg $0x9  }
0xb1: {  	_ =	task.clear_ibuf [dreg:s7], $0x5FFFF;
	_ =	strace $0x90000055  }
0xb2: {  	s29 =	simm.s32 $0x9;
	_ =	strace $0x80000057  }
0xb3: {  	_ =	swait.ge [sflag:s29], $0x1  }
0xb4: {  	[sflag:s29] =	ssyncadd.s32 $0xFFFFFFFF  }
0xb5: {  	_ =	strace $0x90000057  }
0xb6: {  	_ =	sfence  }
0xb7: {  	s30 =	sld [smem:$0x0];
	_ =	sdelay $0x2  }
0xb8: {  	s31 =	sshll.u32 s1, $0xD;
	s1 =	sshrl.u32 s1, $0x2  }
0xb9: {  	s3 =	sand.u32 $0x4000, s31;
	s1 =	sadd.s32 s1, s30  }
0xba: {  	s0 =	sor.u32 s3, s0;
	s1 =	sshll.u32 s1, $0x11  }
0xbb: {  	s0 =	sor.u32 s1, s0  }
0xbc: {  	s0 =	sadd.s32 $0x8F2B, s0  }
0xbd: {  	[sflag:s0] =	ssyncadd.remote.s32 $0x1  }
0xbe: {  	_ =	sfence.sel $0xFFFF  }
0xbf: {  	[dreg:$0x0] =	wrdreg $0xFFFFFFFF;
	(pc) =	sbr.abs _section_cstart, $3  }
0xc0: {  	[dreg:$0x1] =	wrdreg $0xFFFFFFFF  }
0xc1: {  	_ =	task.clear_ibuf [dreg:s7], $0x2FFFF;
	_ =	strace $0x9FFFFFFF  }
0xc2: {  	(tm) =	ssettm $0x7FFFFFFF  }
0xc3: {  	_ =	shalt  }
tec
execute0_lowered:
.L_overlay_start_1:
0x0: {  	(tag) =	ssettag $0x1  }
0x1: {  	s1 =	srdreg.scid  }
0x2: {  	s0 =	stileid.u32;
	s6 =	sand.u32 $0x1, s1  }
0x3: {  	s2 =	rddreg [dreg:$0x0];
	s30 =	sshll.u32 s0, $0xA;
	s3 =	sshll.u32 s6, $0x9  }
0x4: {  	s8 =	rddreg [dreg:$0x1];
	s7 =	simm.s32 $0x1;
	s9 =	sor.u32 s3, s30  }
0x5: {  	s1 =	rddreg [dreg:$0x2];
	s3 =	simm.s32 $0x0;
	s4 =	sshrl.u32 s9, $0x3  }
0x6: {  	s10 =	ssub.s32 $0x2, s6;
	[smem:$0x7FF] =	sst s3;
	s4 =	sadd.s32 s4, s8  }
0x7: {  	_ =	strace $0x80000056;
	s5 =	sadd.s32 $0x5800, s4;
	s4 =	simm.s32 $0x2  }
0x8: {  	[tilespmem:s3], [sflag:$0x2] =	stream.linear.gather [hbm4b:s5+s3], $0x200, $0x38;
	[tilespmem:$0x10200] =	vst v63  }
0x9: {  	s6 =	simm.s32 $0x200;
	s11 =	sshrl.u32 s10, $0x1;
	_ =	swait.ge [sflag:s4], $0x200  }
0xa: {  	s9 =	sshll.u32 s9, $0x4;
	s31 =	ssub.s32 s10, s11;
	[sflag:s4] =	ssyncset.done $0x0  }
0xb: {  	s8 =	sadd.s32 s9, s8;
	s9 =	smax.u32 s31, $0x1;
	[sflag:s4] =	ssyncadd.s32 $0xFFFFFE00  }
0xc: {  	[tilespmem:s6], [sflag:$0x1] =	stream.indirect.gather [hbm4b:s2+s6], $0x80, s3, s6, $0xb8;
	[tilespmem:$0x10200] =	vst v63  }
0xd: {  	p0 =	sne.s32 s9, $0x1;
	_ =	swait.ge [sflag:s7], $0x10000  }
.Ltmp0:
0xe: {  	[sflag:s7] =	ssyncset.done $0x0;
	(pc) =	sbr.rel @!p0 .LBB2_2-.Ltmp0, $4  }
0xf: {  	s8 =	sadd.s32 $0x6800, s8;
	[sflag:s7] =	ssyncadd.s32 $0xFFFF0000  }
0x10: {  	[hbm4b:s8+s3] =	stream.linear.scatter [tilespmem:s6], [sflag:$0x2], $0x10000, $0x38;
	[tilespmem:$0x10200] =	vst v63  }
0x11: {  	_ =	swait.ge [sflag:s4], $0x10000  }
0x12: {  	s9 =	sadd.s32 $0xFFFFFFFF, s9;
	[sflag:s4] =	ssyncset.done $0x0  }
.LBB2_1:
0x13: {  	p0 =	sne.s32 s9, $0x1;
	s9 =	sadd.s32 $0xFFFFFFFF, s9;
	[sflag:s4] =	ssyncadd.s32 $0xFFFF0000  }
0x14: {  	[tilespmem:s3], [sflag:$0x2] =	stream.linear.gather [hbm4b:s5+s3], $0x200, $0x38;
	[tilespmem:$0x10200] =	vst v63  }
0x15: {  	_ =	swait.ge [sflag:s4], $0x200  }
0x16: {  	[sflag:s4] =	ssyncset.done $0x0  }
0x17: {  	[sflag:s4] =	ssyncadd.s32 $0xFFFFFE00  }
0x18: {  	[tilespmem:s6], [sflag:$0x1] =	stream.indirect.gather [hbm4b:s2+s6], $0x80, s3, s6, $0xb8;
	[tilespmem:$0x10200] =	vst v63  }
0x19: {  	_ =	swait.ge [sflag:s7], $0x10000  }
.Ltmp1:
0x1a: {  	[sflag:s7] =	ssyncset.done $0x0;
	(pc) =	sbr.rel @p0 .LBB2_1-.Ltmp1, $4  }
0x1b: {  	[sflag:s7] =	ssyncadd.s32 $0xFFFF0000  }
0x1c: {  	[hbm4b:s8+s3] =	stream.linear.scatter [tilespmem:s6], [sflag:$0x2], $0x10000, $0x38;
	[tilespmem:$0x10200] =	vst v63  }
0x1d: {  	_ =	swait.ge [sflag:s4], $0x10000  }
0x1e: {  	[sflag:s4] =	ssyncset.done $0x0  }
.LBB2_2:
0x1f: {  	[sflag:s4] =	ssyncadd.s32 $0xFFFF0000  }
0x20: {  	_ =	sfence.sel $0x180000  }
0x21: {  	[bflag:$0x0] =	sbarrier.arrive $0xFFFF  }
0x22: {  	p0 =	sne.s32 s0, $0x0;
	_ =	strace $0x90000056  }
0x23: {  	s0 =	sadd.s32 @!p0 $0x100000, s1;
	[bflag:$0x2] =	sbarrier.arrive $0xFFFF  }
0x24: {  	[sflag:s0] =	ssyncadd.tile.s32 @!p0 $0x1;
	_ =	shalt  }
.Lfunc_end2:
_tile_overlayer_lowered:
.L_overlay_start_2:
0x25: {  	(tag) =	ssettag $0x2  }
0x26: {  	s0 =	rddreg [dreg:$0x0];
	s2 =	stileid.u32  }
0x27: {  	s1 =	rddreg [dreg:$0x1];
	p0 =	sne.s32 s2, $0x0  }
0x28: {  	s3 =	rddreg [dreg:$0x2];
	[bflag:$0x3] =	sbarrier.arrive $0xFFFF;
	s2 =	simm.s32 @!p0 $0x1C02  }
0x29: {  	[timem:s3], [sflag:s2] =	dma.local @!p0 [hbm:s0], s1  }
0x2a: {  	s0 =	simm.s32 @!p0 $0x2  }
0x2b: {  	_ =	swait.ge @!p0 [sflag:s0], s1  }
0x2c: {  	s1 =	ssub.s32 @!p0 $0x0, s1;
	[sflag:s0] =	ssyncset.done @!p0 $0x0  }
0x2d: {  	[sflag:s0] =	ssyncadd.s32 @!p0 s1  }
0x2e: {  	[bflag:$0x3] =	sbarrier.arrive $0xFFFF  }
0x2f: {  	_ =	shalt  }

// kernel: kernel.35.cloned.1.call-start
scs
__scs_entry_jumppad:
0x0: {  	(pc) =	sbr.rel $0x88, $3  }
0x1: {  	(tag) =	ssettag $0x0;
	lr =	simm.s32 $0x1  }
0x2: {  	[smem:$0x3F9D] =	sst lr;
	_ =	strace $0xD0000000  }
0x3: {  	_ = 	snop  }
0x4: {  	_ = 	snop  }
0x5: {  	_ = 	snop  }
0x6: {  	_ = 	snop  }
0x7: {  	_ = 	snop  }
__scs_overlays_trampoline_lowered:
0x8: {  	[smem:$0x3FAC] =	sst s0  }
0x9: {  	[smem:$0x3FAD] =	sst s1  }
0xa: {  	[smem:$0x3FAE] =	sst s2  }
0xb: {  	[smem:$0x3FAF] =	sst s3  }
0xc: {  	[smem:$0x3FB0] =	sst s4  }
0xd: {  	[smem:$0x3FB1] =	sst s5  }
0xe: {  	[smem:$0x3FB2] =	sst s6  }
0xf: {  	[smem:$0x3FB3] =	sst s7  }
0x10: {  	[smem:$0x3FB4] =	sst s8  }
0x11: {  	[smem:$0x3FB5] =	sst s9;
	s0 =	simm.s32 @!p0 $0x0  }
0x12: {  	s1 =	sld [smem:$0x3F9B];
	s0 =	simm.s32 @p0 $0x1  }
0x13: {  	[smem:$0x3FB6] =	sst s0;
	s0 =	simm.s32 @!p1 $0x0  }
0x14: {  	s2 =	sld [smem:$0x3F9A];
	s0 =	simm.s32 @p1 $0x1  }
0x15: {  	[smem:$0x3FB7] =	sst s0;
	s0 =	simm.s32 @!p2 $0x0  }
0x16: {  	s3 =	sld [smem:$0x3FDB];
	s0 =	simm.s32 @p2 $0x1  }
0x17: {  	s4 =	simm.s32 $0x1BF5;
	[smem:$0x3FB9] =	sst s0  }
0x18: {  	s0 =	sld [smem:$0x3F9C];
	_ =	swait.ge [sflag:s4], $0x0  }
0x19: {  	s7 =	sld [smem:$0x3F9D]  }
0x1a: {  	s8 =	sadd.s32 $0xFFFFE003, lr  }
0x1b: {  	s9 =	sadd.s32 $0xFFFFFEF7, lr;
	s5 =	simm.s32 $0xFFFFFFFF;
	p2 =	slt.u32 s8, $0xFFFFF086  }
0x1c: {  	p1 =	slt.u32 s9, $0xF7A;
	s5 =	simm.s32 @!p2 $0x0  }
0x1d: {  	s5 =	simm.s32 @p1 $0x1;
	p0 =	seq.s32 s7, s2  }
0x1e: {  	s7 =	smul.u32 @!p0 $0xF7A, s2;
	p2 =	seq.s32 @!p0 s5, $0x0  }
0x1f: {  	s9 =	smul.u32 $0xF7A, s1;
	s8 =	simm.s32 @!p0 $0x1BF5;
	p2 =	por !p2, p0  }
0x20: {  	[sflag:s8] =	ssyncset.s32 @!p0 $0xFFFFF086;
	s6 =	sadd.s32 @!p0 s3, s7;
	s7 =	simm.s32 @!p0 $0x108  }
0x21: {  	s3 =	sadd.s32 s3, s9;
	s6 =	sadd.s32 @!p0 $0x88, s6;
	s7 =	simm.s32 @p2 $0x1082  }
0x22: {  	[simem:s7], [sflag:s8] =	dma.local @!p0 [hbm:s6], $0xF7A  }
0x23: {  	s9 =	sor.u32 $0xD0000000, s2;
	s6 =	simm.s32 $0x108;
	_ =	swait.ge @!p0 [sflag:s8], $0x0  }
0x24: {  	s3 =	sadd.s32 $0x88, s3;
	s6 =	simm.s32 @!p1 $0x1082;
	[sflag:s4] =	ssyncset.s32 $0xFFFFF086  }
0x25: {  	[simem:s6], [sflag:s4] =	dma.local [hbm:s3], $0xF7A  }
0x26: {  	[smem:$0x3F9D] =	sst s1;
	(tag) =	ssettag s2;
	_ =	strace s9  }
0x27: {  	s1 =	sld [smem:$0x3FAD]  }
0x28: {  	s2 =	sld [smem:$0x3FAE]  }
0x29: {  	s4 =	sld [smem:$0x3FB0]  }
0x2a: {  	p0 =	seq.s32 s5, $0x0;
	s5 =	sld [smem:$0x3FB1]  }
0x2b: {  	s6 =	sld [smem:$0x3FB2]  }
0x2c: {  	s7 =	sld [smem:$0x3FB3]  }
0x2d: {  	s3 =	simm.s32 $0x108;
	s8 =	sld [smem:$0x3FB4]  }
0x2e: {  	s3 =	simm.s32 @!p0 $0x1082;
	s9 =	sld [smem:$0x3FB5]  }
0x2f: {  	lr =	sadd.s32 s0, s3;
	s0 =	sld [smem:$0x3FAC]  }
0x30: {  	s3 =	sld [smem:$0x3FAF]  }
0x31: {  	[smem:$0x3FB8] =	sst s10  }
0x32: {  	s10 =	sld [smem:$0x3FB6];
	_ =	sdelay $0x3  }
0x33: {  	p0 =	seq.s32 s10, $0x1;
	s10 =	sld [smem:$0x3FB8];
	_ =	sdelay $0x3  }
0x34: {  	[smem:$0x3FB8] =	sst s10  }
0x35: {  	s10 =	sld [smem:$0x3FB7];
	_ =	sdelay $0x3  }
0x36: {  	p1 =	seq.s32 s10, $0x1;
	s10 =	sld [smem:$0x3FB8];
	_ =	sdelay $0x3  }
0x37: {  	[smem:$0x3FB8] =	sst s10  }
0x38: {  	s10 =	sld [smem:$0x3FB9]  }
0x39: {  	_ = 	snop;
	(pc) =	sbr.ind lr, $3  }
0x3a: {  	_ = 	snop  }
0x3b: {  	_ = 	snop  }
0x3c: {  	p2 =	seq.s32 s10, $0x1;
	s10 =	sld [smem:$0x3FB8]  }
0x3d: {  	_ =	shalt  }
0x3e: {  	_ =	shalt  }
0x3f: {  	_ =	shalt  }
0x40: {  	_ =	shalt  }
0x41: {  	_ =	shalt  }
0x42: {  	_ =	shalt  }
0x43: {  	_ =	shalt  }
0x44: {  	_ =	shalt  }
0x45: {  	_ =	shalt  }
0x46: {  	_ =	shalt  }
0x47: {  	_ =	shalt  }
0x48: {  	_ =	shalt  }
0x49: {  	_ =	shalt  }
0x4a: {  	_ =	shalt  }
0x4b: {  	_ =	shalt  }
0x4c: {  	_ =	shalt  }
0x4d: {  	_ =	shalt  }
0x4e: {  	_ =	shalt  }
0x4f: {  	_ =	shalt  }
0x50: {  	_ =	shalt  }
0x51: {  	_ =	shalt  }
0x52: {  	_ =	shalt  }
0x53: {  	_ =	shalt  }
0x54: {  	_ =	shalt  }
0x55: {  	_ =	shalt  }
0x56: {  	_ =	shalt  }
0x57: {  	_ =	shalt  }
0x58: {  	_ =	shalt  }
0x59: {  	_ =	shalt  }
0x5a: {  	_ =	shalt  }
0x5b: {  	_ =	shalt  }
0x5c: {  	_ =	shalt  }
0x5d: {  	_ =	shalt  }
0x5e: {  	_ =	shalt  }
0x5f: {  	_ =	shalt  }
0x60: {  	_ =	shalt  }
0x61: {  	_ =	shalt  }
0x62: {  	_ =	shalt  }
0x63: {  	_ =	shalt  }
0x64: {  	_ =	shalt  }
0x65: {  	_ =	shalt  }
0x66: {  	_ =	shalt  }
0x67: {  	_ =	shalt  }
0x68: {  	_ =	shalt  }
0x69: {  	_ =	shalt  }
0x6a: {  	_ =	shalt  }
0x6b: {  	_ =	shalt  }
0x6c: {  	_ =	shalt  }
0x6d: {  	_ =	shalt  }
0x6e: {  	_ =	shalt  }
0x6f: {  	_ =	shalt  }
0x70: {  	_ =	shalt  }
0x71: {  	_ =	shalt  }
0x72: {  	_ =	shalt  }
0x73: {  	_ =	shalt  }
0x74: {  	_ =	shalt  }
0x75: {  	_ =	shalt  }
0x76: {  	_ =	shalt  }
0x77: {  	_ =	shalt  }
0x78: {  	_ =	shalt  }
0x79: {  	_ =	shalt  }
0x7a: {  	_ =	shalt  }
0x7b: {  	_ =	shalt  }
0x7c: {  	_ =	shalt  }
0x7d: {  	_ =	shalt  }
0x7e: {  	_ =	shalt  }
0x7f: {  	_ =	shalt  }
0x80: {  	_ =	shalt  }
0x81: {  	_ =	shalt  }
0x82: {  	_ =	shalt  }
0x83: {  	_ =	shalt  }
0x84: {  	_ =	shalt  }
0x85: {  	_ =	shalt  }
0x86: {  	_ =	shalt  }
0x87: {  	_ =	shalt  }
.Lfunc_end0:
.L_simem_size_0:
called_computation.6_lowered:
.L_overlay_start_0:
0x88: {  	s2 =	sld [smem:$0x3FD9]  }
0x89: {  	s3 =	sld [smem:$0x3FFE];
	_ =	sdelay $0x1  }
0x8a: {  	s1 =	srdreg.scid  }
0x8b: {  	s0 =	sand.u32 $0x1, s1  }
0x8c: {  	s17 =	sshll.u32 s0, $0xA;
	s2 =	sadd.s32 s3, s2  }
0x8d: {  	s2 =	sadd.s32 s2, s17  }
0x8e: {  	[smem:$0x3FC4] =	sst s2  }
0x8f: {  	_ = 	snop  }
0x90: {  	s2 =	sld [smem:$0x3FD0];
	(tm) =	ssettm $0x1  }
0x91: {  	s18 =	sld [smem:$0x3FFB];
	_ =	sdelay $0x3  }
0x92: {  	_ =	strace s18  }
0x93: {  	s3 =	sld [smem:$0x3FFC];
	_ =	sdelay $0x3  }
0x94: {  	_ =	strace s3  }
0x95: {  	s3 =	sld [smem:$0x3FFD];
	_ =	sdelay $0x3  }
0x96: {  	_ =	strace s3  }
0x97: {  	_ =	strace $0x8FFFFFFF  }
0x98: {  	s19 =	sld [smem:$0x3FDB];
	_ =	sdelay $0x1  }
0x99: {  	s4 =	simm.s32 $_scs_section_size  }
0x9a: {  	s5 =	simm.s32 $_size__tile_overlayer_lowered;
	s6 =	simm.s32 $_tile_overlayer_lowered  }
0x9b: {  	s22 =	simm.s32 $0x1BFF;
	s21 =	sshll.u32 s6, $0x1;
	s3 =	sadd.s32 s4, s19  }
0x9c: {  	s7 =	simm.s32 $0x0;
	s20 =	sshll.u32 s5, $0x1;
	s5 =	sadd.s32 s21, s3  }
0x9d: {  	[timem:s7], [sflag:s22] =	dma.local [hbm:s5], s20  }
0x9e: {  	_ =	swait.ge [sflag:s22], s20  }
0x9f: {  	s4 =	ssub.s32 $0x0, s20;
	[sflag:s22] =	ssyncset.done $0x0  }
0xa0: {  	[sflag:s22] =	ssyncadd.s32 s4;
	_ =	sdelay $0x1  }
0xa1: {  	s23 =	simm.s32 $0x1B8B  }
0xa2: {  	_ =	swait.ge [sflag:s23], $0x1  }
0xa3: {  	[sflag:s23] =	ssyncset.done $0x0  }
0xa4: {  	s25 =	simm.s32 $0x1B8E;
	s24 =	sld [smem:$0x3FFE];
	[sflag:s23] =	ssyncadd.s32 $0xFFFFFFFF  }
0xa5: {  	s26 =	simm.s32 $execute0_lowered;
	[smem:$0x3FD2] =	sst s25  }
0xa6: {  	s5 =	sshll.u32 s26, $0x1;
	_ =	strace $0x80000058;
	[dreg:$0x1] =	wrdreg $0xFFFFFFFF  }
0xa7: {  	s28 =	simm.s32 $_size_execute0_lowered;
	s3 =	sadd.s32 s3, s5;
	[dreg:$0x0] =	wrdreg $0x0  }
0xa8: {  	s5 =	sshll.u32 s28, $0x1;
	[dreg:$0x2] =	wrdreg s3  }
0xa9: {  	[dreg:$0x3] =	wrdreg s5  }
0xaa: {  	[dreg:$0x4] =	wrdreg $0xC0  }
0xab: {  	_ =	task [dreg:s7], $0x5FFFF  }
0xac: {  	[dreg:$0x1] =	wrdreg $0xFFFFFFFF  }
0xad: {  	[dreg:$0x0] =	wrdreg $0x60  }
0xae: {  	[dreg:$0x2] =	wrdreg s2  }
0xaf: {  	[dreg:$0x3] =	wrdreg s24  }
0xb0: {  	[dreg:$0x4] =	wrdreg $0x9  }
0xb1: {  	_ =	task.clear_ibuf [dreg:s7], $0x5FFFF;
	_ =	strace $0x90000058  }
0xb2: {  	s29 =	simm.s32 $0x9;
	_ =	strace $0x8000005A  }
0xb3: {  	_ =	swait.ge [sflag:s29], $0x1  }
0xb4: {  	[sflag:s29] =	ssyncadd.s32 $0xFFFFFFFF  }
0xb5: {  	_ =	strace $0x9000005A  }
0xb6: {  	_ =	sfence  }
0xb7: {  	s30 =	sld [smem:$0x0];
	_ =	sdelay $0x2  }
0xb8: {  	s31 =	sshll.u32 s1, $0xD;
	s1 =	sshrl.u32 s1, $0x2  }
0xb9: {  	s3 =	sand.u32 $0x4000, s31;
	s1 =	sadd.s32 s1, s30  }
0xba: {  	s0 =	sor.u32 s3, s0;
	s1 =	sshll.u32 s1, $0x11  }
0xbb: {  	s0 =	sor.u32 s1, s0  }
0xbc: {  	s0 =	sadd.s32 $0x8F2B, s0  }
0xbd: {  	[sflag:s0] =	ssyncadd.remote.s32 $0x1  }
0xbe: {  	_ =	sfence.sel $0xFFFF  }
0xbf: {  	[dreg:$0x0] =	wrdreg $0xFFFFFFFF;
	(pc) =	sbr.abs _section_cstart, $3  }
0xc0: {  	[dreg:$0x1] =	wrdreg $0xFFFFFFFF  }
0xc1: {  	_ =	task.clear_ibuf [dreg:s7], $0x2FFFF;
	_ =	strace $0x9FFFFFFF  }
0xc2: {  	(tm) =	ssettm $0x7FFFFFFF  }
0xc3: {  	_ =	shalt  }
tec
execute0_lowered:
.L_overlay_start_1:
0x0: {  	(tag) =	ssettag $0x1  }
0x1: {  	s1 =	srdreg.scid  }
0x2: {  	s0 =	stileid.u32;
	s6 =	sand.u32 $0x1, s1  }
0x3: {  	s2 =	rddreg [dreg:$0x0];
	s30 =	sshll.u32 s0, $0xA;
	s3 =	sshll.u32 s6, $0x9  }
0x4: {  	s8 =	rddreg [dreg:$0x1];
	s7 =	simm.s32 $0x1;
	s9 =	sor.u32 s3, s30  }
0x5: {  	s1 =	rddreg [dreg:$0x2];
	s3 =	simm.s32 $0x0;
	s4 =	sshrl.u32 s9, $0x3  }
0x6: {  	s10 =	ssub.s32 $0x2, s6;
	[smem:$0x7FF] =	sst s3;
	s4 =	sadd.s32 s4, s8  }
0x7: {  	_ =	strace $0x80000059;
	s5 =	sadd.s32 $0x6000, s4;
	s4 =	simm.s32 $0x2  }
0x8: {  	[tilespmem:s3], [sflag:$0x2] =	stream.linear.gather [hbm4b:s5+s3], $0x200, $0x38;
	[tilespmem:$0x10200] =	vst v63  }
0x9: {  	s6 =	simm.s32 $0x200;
	s11 =	sshrl.u32 s10, $0x1;
	_ =	swait.ge [sflag:s4], $0x200  }
0xa: {  	s9 =	sshll.u32 s9, $0x4;
	s31 =	ssub.s32 s10, s11;
	[sflag:s4] =	ssyncset.done $0x0  }
0xb: {  	s8 =	sadd.s32 s9, s8;
	s9 =	smax.u32 s31, $0x1;
	[sflag:s4] =	ssyncadd.s32 $0xFFFFFE00  }
0xc: {  	[tilespmem:s6], [sflag:$0x1] =	stream.indirect.gather [hbm4b:s2+s6], $0x80, s3, s6, $0xb8;
	[tilespmem:$0x10200] =	vst v63  }
0xd: {  	p0 =	sne.s32 s9, $0x1;
	_ =	swait.ge [sflag:s7], $0x10000  }
.Ltmp0:
0xe: {  	[sflag:s7] =	ssyncset.done $0x0;
	(pc) =	sbr.rel @!p0 .LBB2_2-.Ltmp0, $4  }
0xf: {  	s8 =	sadd.s32 $0x6800, s8;
	[sflag:s7] =	ssyncadd.s32 $0xFFFF0000  }
0x10: {  	[hbm4b:s8+s3] =	stream.linear.scatter [tilespmem:s6], [sflag:$0x2], $0x10000, $0x38;
	[tilespmem:$0x10200] =	vst v63  }
0x11: {  	_ =	swait.ge [sflag:s4], $0x10000  }
0x12: {  	s9 =	sadd.s32 $0xFFFFFFFF, s9;
	[sflag:s4] =	ssyncset.done $0x0  }
.LBB2_1:
0x13: {  	p0 =	sne.s32 s9, $0x1;
	s9 =	sadd.s32 $0xFFFFFFFF, s9;
	[sflag:s4] =	ssyncadd.s32 $0xFFFF0000  }
0x14: {  	[tilespmem:s3], [sflag:$0x2] =	stream.linear.gather [hbm4b:s5+s3], $0x200, $0x38;
	[tilespmem:$0x10200] =	vst v63  }
0x15: {  	_ =	swait.ge [sflag:s4], $0x200  }
0x16: {  	[sflag:s4] =	ssyncset.done $0x0  }
0x17: {  	[sflag:s4] =	ssyncadd.s32 $0xFFFFFE00  }
0x18: {  	[tilespmem:s6], [sflag:$0x1] =	stream.indirect.gather [hbm4b:s2+s6], $0x80, s3, s6, $0xb8;
	[tilespmem:$0x10200] =	vst v63  }
0x19: {  	_ =	swait.ge [sflag:s7], $0x10000  }
.Ltmp1:
0x1a: {  	[sflag:s7] =	ssyncset.done $0x0;
	(pc) =	sbr.rel @p0 .LBB2_1-.Ltmp1, $4  }
0x1b: {  	[sflag:s7] =	ssyncadd.s32 $0xFFFF0000  }
0x1c: {  	[hbm4b:s8+s3] =	stream.linear.scatter [tilespmem:s6], [sflag:$0x2], $0x10000, $0x38;
	[tilespmem:$0x10200] =	vst v63  }
0x1d: {  	_ =	swait.ge [sflag:s4], $0x10000  }
0x1e: {  	[sflag:s4] =	ssyncset.done $0x0  }
.LBB2_2:
0x1f: {  	[sflag:s4] =	ssyncadd.s32 $0xFFFF0000  }
0x20: {  	_ =	sfence.sel $0x180000  }
0x21: {  	[bflag:$0x0] =	sbarrier.arrive $0xFFFF  }
0x22: {  	p0 =	sne.s32 s0, $0x0;
	_ =	strace $0x90000059  }
0x23: {  	s0 =	sadd.s32 @!p0 $0x100000, s1;
	[bflag:$0x2] =	sbarrier.arrive $0xFFFF  }
0x24: {  	[sflag:s0] =	ssyncadd.tile.s32 @!p0 $0x1;
	_ =	shalt  }
.Lfunc_end2:
_tile_overlayer_lowered:
.L_overlay_start_2:
0x25: {  	(tag) =	ssettag $0x2  }
0x26: {  	s0 =	rddreg [dreg:$0x0];
	s2 =	stileid.u32  }
0x27: {  	s1 =	rddreg [dreg:$0x1];
	p0 =	sne.s32 s2, $0x0  }
0x28: {  	s3 =	rddreg [dreg:$0x2];
	[bflag:$0x3] =	sbarrier.arrive $0xFFFF;
	s2 =	simm.s32 @!p0 $0x1C02  }
0x29: {  	[timem:s3], [sflag:s2] =	dma.local @!p0 [hbm:s0], s1  }
0x2a: {  	s0 =	simm.s32 @!p0 $0x2  }
0x2b: {  	_ =	swait.ge @!p0 [sflag:s0], s1  }
0x2c: {  	s1 =	ssub.s32 @!p0 $0x0, s1;
	[sflag:s0] =	ssyncset.done @!p0 $0x0  }
0x2d: {  	[sflag:s0] =	ssyncadd.s32 @!p0 s1  }
0x2e: {  	[bflag:$0x3] =	sbarrier.arrive $0xFFFF  }
0x2f: {  	_ =	shalt  }

</sc_bundles>
